<compile_context>
chip_gen: v7x
topology: tpu7x:2x2x1
jax: 0.10.2.dev20260603
libtpu: 0.0.44.dev20260713+nightly
codegen_flags: <defaults>
</compile_context>

<pallas_src>
import functools

import jax
import jax.numpy as jnp
from jax import lax
from jax.experimental import pallas as pl
from jax.experimental.pallas import tpu as pltpu
from jax.experimental.pallas import tpu_sc as plsc

_BATCH = 16384
_N_WORDS = 50
_TOKEN_SPACE = 100000
_N_OOV = 100
_V = 1001
_VPAD = 1008
_L = 16
_NC = 2
_NS = 16
_NW = _NC * _NS
_COLS_PER_W = _BATCH // _NW
_CCOLS = 128
_NCHUNK = _COLS_PER_W // _CCOLS
_INIT_UNROLL = 25

_mesh = plsc.VectorSubcoreMesh(core_axis_name="c", subcore_axis_name="s")


@functools.partial(
    pl.kernel,
    mesh=_mesh,
    out_type=jax.ShapeDtypeStruct((_N_WORDS, _BATCH), jnp.uint32),
    scratch_types=[
        pltpu.VMEM((_TOKEN_SPACE,), jnp.int32),
        pltpu.VMEM((_VPAD,), jnp.int32),
        pltpu.VMEM((_N_WORDS, _CCOLS), jnp.int32),
        pltpu.VMEM((_N_WORDS, _CCOLS), jnp.int32),
        pltpu.VMEM((_N_WORDS, _CCOLS), jnp.uint32),
        pltpu.VMEM((_N_WORDS, _CCOLS), jnp.uint32),
        pltpu.SemaphoreType.DMA,
        pltpu.SemaphoreType.DMA,
        pltpu.SemaphoreType.DMA,
        pltpu.SemaphoreType.DMA,
    ],
    compiler_params=pltpu.CompilerParams(needs_layout_passes=False),
)
def _lookup(tok_hbm, keys_hbm, out_hbm, table, keys_v, tok_a, tok_b, res_a,
            res_b, sem_a, sem_b, osem_a, osem_b):
    wid = lax.axis_index("s") * _NC + lax.axis_index("c")
    col0 = wid * _COLS_PER_W

    tok_bufs = (tok_a, tok_b)
    sems = (sem_a, sem_b)
    res_bufs = (res_a, res_b)
    osems = (osem_a, osem_b)

    copies = [None] * _NCHUNK
    copies[0] = pltpu.make_async_copy(
        tok_hbm.at[:, pl.ds(col0, _CCOLS)], tok_a, sem_a
    )
    copies[0].start()

    pltpu.sync_copy(keys_hbm, keys_v.at[pl.ds(0, _V)])

    iota = lax.iota(jnp.int32, _L)

    @plsc.parallel_loop(jnp.int32(0), jnp.int32(_TOKEN_SPACE // _L),
                        jnp.int32(1), unroll=_INIT_UNROLL)
    def _(i):
        off = i * jnp.int32(_L)
        base = jnp.int32(_V) + lax.rem(off, jnp.int32(_N_OOV))
        rv = base + iota
        rv = jnp.where(rv >= jnp.int32(_V + _N_OOV),
                       rv - jnp.int32(_N_OOV), rv)
        table[pl.ds(off, _L)] = rv

    @plsc.parallel_loop(jnp.int32(0), jnp.int32(_VPAD // _L), jnp.int32(1),
                        unroll=4)
    def _(j):
        off = j * jnp.int32(_L)
        lanes = iota + off
        keys = keys_v[pl.ds(off, _L)]
        plsc.store_scatter(table, [keys], lanes, mask=lanes < jnp.int32(_V))

    out_copies = [None] * _NCHUNK
    for c in range(_NCHUNK):
        tok_v = tok_bufs[c % 2]
        res_v = res_bufs[c % 2]
        copies[c].wait()
        if c + 1 < _NCHUNK:
            copies[c + 1] = pltpu.make_async_copy(
                tok_hbm.at[:, pl.ds(col0 + (c + 1) * _CCOLS, _CCOLS)],
                tok_bufs[(c + 1) % 2],
                sems[(c + 1) % 2],
            )
            copies[c + 1].start()
        if c >= 2:
            out_copies[c - 2].wait()

        @plsc.parallel_loop(jnp.int32(0),
                            jnp.int32(_N_WORDS * (_CCOLS // _L)),
                            jnp.int32(1), unroll=16)
        def _(i):
            w = lax.div(i, jnp.int32(_CCOLS // _L))
            kb16 = lax.rem(i, jnp.int32(_CCOLS // _L)) * jnp.int32(_L)
            t = tok_v[w, pl.ds(kb16, _L)]
            g = plsc.load_gather(table, [t])
            res_v[w, pl.ds(kb16, _L)] = plsc.bitcast(g, jnp.uint32)

        out_copies[c] = pltpu.make_async_copy(
            res_v, out_hbm.at[:, pl.ds(col0 + c * _CCOLS, _CCOLS)], osems[c % 2]
        )
        out_copies[c].start()

    out_copies[_NCHUNK - 2].wait()
    out_copies[_NCHUNK - 1].wait()


def kernel(inputs, vocab_keys):
    tok = inputs.astype(jnp.int32).T
    keys = vocab_keys.astype(jnp.int32)
    return _lookup(tok, keys).T.astype(jnp.int64)

# --- scband reference (transcript-rebuilt; emitter-appended) ---
"""Pipeline reference for scband-text-vectorization-37941741093586 (READ-ONLY COPY).

The authoritative reference and input builder live on the scoring server;
editing this copy changes nothing except your own understanding.
"""

import jax, jax.numpy as jnp
import numpy as np
jax.config.update("jax_enable_x64", True)

MAX_VOCAB = 1000
N_OOV = 100
BATCH = 16384
N_WORDS = 50
TOKEN_SPACE = 100000


def setup_inputs(seed: int = 0) -> dict:
    key = jax.random.key(seed)
    # Numeric proxy for preprocessed string tokens: each entry is a 64-bit token
    # fingerprint (hash) of a word after substr/lower/regex/split/pad preprocessing.
    inputs = jax.random.randint(key, (BATCH, N_WORDS), 0, TOKEN_SPACE, dtype=jnp.int64)
    # StaticVocabularyTable keys: max_vocabulary_size most-common words plus <pad>,
    # stored sorted so the id of key k is its rank (position) in the sorted array.
    rs = np.random.RandomState(0)
    vocab_keys = np.sort(rs.choice(TOKEN_SPACE, MAX_VOCAB + 1, replace=False)).astype(np.int64)
    return {"inputs": inputs, "vocab_keys": jnp.asarray(vocab_keys)}


def reference(inputs, vocab_keys):
    # tf.lookup.StaticVocabularyTable.lookup: exact-match lookup into the vocab;
    # misses are hashed (here: fingerprint mod n_oov_buckets) into OOV bucket ids
    # in [vocab_size, vocab_size + n_oov_buckets).
    V = vocab_keys.shape[0]
    pos = jnp.searchsorted(vocab_keys, inputs)
    pos_c = jnp.clip(pos, 0, V - 1)
    hit = jnp.take(vocab_keys, pos_c) == inputs
    oov_ids = V + jnp.mod(inputs, N_OOV)
    word_ids = jnp.where(hit, pos_c, oov_ids).astype(jnp.int64)
    return word_ids

if __name__ == "__main__":
    import jax
    _d = setup_inputs()
    print(jax.jit(kernel)(*tuple(_d.values())))

</pallas_src>

<mosaic_0001>
#map = affine_map<(d0, d1) -> (0, 0)>
#map1 = affine_map<(d0, d1) -> (0)>
module attributes {stable_mosaic.version = 14 : i64} {
  func.func @_lookup(%arg0: i32, %arg1: i32, %arg2: memref<50x16384xi32, #tpu.memory_space<hbm>>, %arg3: memref<1001xi32, #tpu.memory_space<hbm>>, %arg4: memref<50x16384xi32, #tpu.memory_space<hbm>>, %arg5: memref<100000xi32, #tpu.memory_space<vmem>>, %arg6: memref<1008xi32, #tpu.memory_space<vmem>>, %arg7: memref<50x128xi32, #tpu.memory_space<vmem>>, %arg8: memref<50x128xi32, #tpu.memory_space<vmem>>, %arg9: memref<50x128xi32, #tpu.memory_space<vmem>>, %arg10: memref<50x128xi32, #tpu.memory_space<vmem>>, %arg11: memref<!tpu.dma_semaphore, #tpu.memory_space<semaphore_mem>>, %arg12: memref<!tpu.dma_semaphore, #tpu.memory_space<semaphore_mem>>, %arg13: memref<!tpu.dma_semaphore, #tpu.memory_space<semaphore_mem>>, %arg14: memref<!tpu.dma_semaphore, #tpu.memory_space<semaphore_mem>>) attributes {dimension_semantics = [#tpu.dimension_semantics<core_parallel>, #tpu.dimension_semantics<subcore_parallel>], iteration_bounds = array<i64: 2, 16>, scalar_prefetch = 0 : i64, scratch_operands = 10 : i64, tpu.core_type = #tpu.core_type<sc_vector_subcore>, window_params = [{transform_indices = #map}, {transform_indices = #map1}, {transform_indices = #map}]} {
    %mul3A = arith.constant 2 : i32
    %mul3A_0 = arith.muli %arg1, %mul3A : i32
    %add3A = arith.addi %mul3A_0, %arg0 : i32
    %mul3A_1 = arith.constant 512 : i32
    %mul3A_2 = arith.muli %add3A, %mul3A_1 : i32
    %dma_start3A = arith.constant 0 : i32
    %dma_start3A_3 = tpu.memref_slice %arg2[%dma_start3A, %mul3A_2] : memref<50x16384xi32, #tpu.memory_space<hbm>> -> memref<50x128xi32, #tpu.memory_space<hbm>>
    %dma_start3A_4 = arith.constant 0 : i32
    %dma_start3A_5 = tpu.memref_slice %arg2[%dma_start3A_4, %mul3A_2] : memref<50x16384xi32, #tpu.memory_space<hbm>> -> memref<50x128xi32, #tpu.memory_space<hbm>>
    tpu.enqueue_dma source(%dma_start3A_5 : memref<50x128xi32, #tpu.memory_space<hbm>>) target(%arg7 : memref<50x128xi32, #tpu.memory_space<vmem>>) target_semaphore(%arg11 : memref<!tpu.dma_semaphore, #tpu.memory_space<semaphore_mem>>)
    "tpu.region"() ({
      %run_scoped3A = tpu.sem_alloc : memref<!tpu.dma_semaphore, #tpu.memory_space<semaphore_mem>>
      %dma_start3A_96 = arith.constant 0 : i32
      %dma_start3A_97 = tpu.memref_slice %arg6[%dma_start3A_96] : memref<1008xi32, #tpu.memory_space<vmem>> -> memref<1001xi32, #tpu.memory_space<vmem>>
      %dma_start3A_98 = arith.constant 0 : i32
      %dma_start3A_99 = tpu.memref_slice %arg6[%dma_start3A_98] : memref<1008xi32, #tpu.memory_space<vmem>> -> memref<1001xi32, #tpu.memory_space<vmem>>
      tpu.enqueue_dma source(%arg3 : memref<1001xi32, #tpu.memory_space<hbm>>) target(%dma_start3A_99 : memref<1001xi32, #tpu.memory_space<vmem>>) target_semaphore(%run_scoped3A : memref<!tpu.dma_semaphore, #tpu.memory_space<semaphore_mem>>)
      %dma_wait3A_100 = arith.constant 0 : i32
      %dma_wait3A_101 = tpu.memref_slice %arg6[%dma_wait3A_100] : memref<1008xi32, #tpu.memory_space<vmem>> -> memref<1001xi32, #tpu.memory_space<vmem>>
      %dma_wait3A_102 = arith.constant 0 : i32
      %dma_wait3A_103 = tpu.memref_slice %arg6[%dma_wait3A_102] : memref<1008xi32, #tpu.memory_space<vmem>> -> memref<1001xi32, #tpu.memory_space<vmem>>
      tpu.wait_dma2 semaphore(%run_scoped3A : memref<!tpu.dma_semaphore, #tpu.memory_space<semaphore_mem>>) src(%arg3 : memref<1001xi32, #tpu.memory_space<hbm>>) dst(%dma_wait3A_103 : memref<1001xi32, #tpu.memory_space<vmem>>)
      tpu.yield
    }) : () -> ()
    %iota3A = tpu.iota {dimensions = array<i32: 0>} : vector<16xi32>
    %parallel_loop3A = arith.constant 0 : i32
    %parallel_loop3A_6 = arith.constant 6250 : i32
    %parallel_loop3A_7 = arith.constant 1 : i32
    scf.for %parallel_loop3A_96 = %parallel_loop3A to %parallel_loop3A_6 step %parallel_loop3A_7  : i32 {
      %parallel_loop3A_97 = arith.constant 16 : i32
      %parallel_loop3A_98 = arith.muli %parallel_loop3A_96, %parallel_loop3A_97 : i32
      %parallel_loop3A_99 = arith.constant 100 : i32
      %parallel_loop3A_100 = arith.remsi %parallel_loop3A_98, %parallel_loop3A_99 : i32
      %parallel_loop3A_101 = arith.constant 1001 : i32
      %parallel_loop3A_102 = arith.addi %parallel_loop3A_101, %parallel_loop3A_100 : i32
      %parallel_loop3A_103 = vector.broadcast %parallel_loop3A_102 : i32 to vector<16xi32>
      %parallel_loop3A_104 = arith.addi %parallel_loop3A_103, %iota3A : vector<16xi32>
      %parallel_loop3A_105 = arith.constant 1101 : i32
      %parallel_loop3A_106 = vector.broadcast %parallel_loop3A_105 : i32 to vector<16xi32>
      %parallel_loop3A_107 = arith.cmpi sge, %parallel_loop3A_104, %parallel_loop3A_106 : vector<16xi32>
      %parallel_loop3A_108 = arith.constant 100 : i32
      %parallel_loop3A_109 = vector.broadcast %parallel_loop3A_108 : i32 to vector<16xi32>
      %parallel_loop3A_110 = arith.subi %parallel_loop3A_104, %parallel_loop3A_109 : vector<16xi32>
      %parallel_loop3A_111 = arith.select %parallel_loop3A_107, %parallel_loop3A_110, %parallel_loop3A_104 : vector<16xi1>, vector<16xi32>
      %parallel_loop3A_112 = arith.index_cast %parallel_loop3A_98 : i32 to index
      %parallel_loop3A_113 = tpu.vector_load %arg5[%parallel_loop3A_112] {strides = array<i32>} : memref<100000xi32, #tpu.memory_space<vmem>>, vector<16xi32>,
      tpu.vector_store %arg5[%parallel_loop3A_112], %parallel_loop3A_111 {strides = array<i32>} : memref<100000xi32, #tpu.memory_space<vmem>>, vector<16xi32>,
    } {sc.loop_unroll_factor = 25 : i64, sc.parallel_access}
    %parallel_loop3A_8 = arith.constant 0 : i32
    %parallel_loop3A_9 = arith.constant 63 : i32
    %parallel_loop3A_10 = arith.constant 1 : i32
    scf.for %parallel_loop3A_96 = %parallel_loop3A_8 to %parallel_loop3A_9 step %parallel_loop3A_10  : i32 {
      %parallel_loop3A_97 = arith.constant 16 : i32
      %parallel_loop3A_98 = arith.muli %parallel_loop3A_96, %parallel_loop3A_97 : i32
      %parallel_loop3A_99 = vector.broadcast %parallel_loop3A_98 : i32 to vector<16xi32>
      %parallel_loop3A_100 = arith.addi %iota3A, %parallel_loop3A_99 : vector<16xi32>
      %parallel_loop3A_101 = arith.index_cast %parallel_loop3A_98 : i32 to index
      %parallel_loop3A_102 = tpu.vector_load %arg6[%parallel_loop3A_101] {strides = array<i32>} : memref<1008xi32, #tpu.memory_space<vmem>>, vector<16xi32>,
      %parallel_loop3A_103 = arith.constant 1001 : i32
      %parallel_loop3A_104 = vector.broadcast %parallel_loop3A_103 : i32 to vector<16xi32>
      %parallel_loop3A_105 = arith.cmpi slt, %parallel_loop3A_100, %parallel_loop3A_104 : vector<16xi32>
      tpu.vector_store_idx %arg5[%parallel_loop3A_102], %parallel_loop3A_100 masked %parallel_loop3A_105 : memref<100000xi32, #tpu.memory_space<vmem>>[vector<16xi32>], vector<16xi32>, vector<16xi1>
    } {sc.loop_unroll_factor = 4 : i64, sc.parallel_access}
    %dma_wait3A = arith.constant 0 : i32
    %dma_wait3A_11 = tpu.memref_slice %arg2[%dma_wait3A, %mul3A_2] : memref<50x16384xi32, #tpu.memory_space<hbm>> -> memref<50x128xi32, #tpu.memory_space<hbm>>
    %dma_wait3A_12 = arith.constant 0 : i32
    %dma_wait3A_13 = tpu.memref_slice %arg2[%dma_wait3A_12, %mul3A_2] : memref<50x16384xi32, #tpu.memory_space<hbm>> -> memref<50x128xi32, #tpu.memory_space<hbm>>
    tpu.wait_dma2 semaphore(%arg11 : memref<!tpu.dma_semaphore, #tpu.memory_space<semaphore_mem>>) src(%dma_wait3A_13 : memref<50x128xi32, #tpu.memory_space<hbm>>) dst(%arg7 : memref<50x128xi32, #tpu.memory_space<vmem>>)
    %add3A_14 = arith.constant 128 : i32
    %add3A_15 = arith.addi %mul3A_2, %add3A_14 : i32
    %dma_start3A_16 = arith.constant 0 : i32
    %dma_start3A_17 = tpu.memref_slice %arg2[%dma_start3A_16, %add3A_15] : memref<50x16384xi32, #tpu.memory_space<hbm>> -> memref<50x128xi32, #tpu.memory_space<hbm>>
    %dma_start3A_18 = arith.constant 0 : i32
    %dma_start3A_19 = tpu.memref_slice %arg2[%dma_start3A_18, %add3A_15] : memref<50x16384xi32, #tpu.memory_space<hbm>> -> memref<50x128xi32, #tpu.memory_space<hbm>>
    tpu.enqueue_dma source(%dma_start3A_19 : memref<50x128xi32, #tpu.memory_space<hbm>>) target(%arg8 : memref<50x128xi32, #tpu.memory_space<vmem>>) target_semaphore(%arg12 : memref<!tpu.dma_semaphore, #tpu.memory_space<semaphore_mem>>)
    %parallel_loop3A_20 = arith.constant 0 : i32
    %parallel_loop3A_21 = arith.constant 400 : i32
    %parallel_loop3A_22 = arith.constant 1 : i32
    scf.for %parallel_loop3A_96 = %parallel_loop3A_20 to %parallel_loop3A_21 step %parallel_loop3A_22  : i32 {
      %parallel_loop3A_97 = arith.constant 8 : i32
      %parallel_loop3A_98 = arith.divsi %parallel_loop3A_96, %parallel_loop3A_97 : i32
      %parallel_loop3A_99 = arith.constant 8 : i32
      %parallel_loop3A_100 = arith.remsi %parallel_loop3A_96, %parallel_loop3A_99 : i32
      %parallel_loop3A_101 = arith.constant 16 : i32
      %parallel_loop3A_102 = arith.muli %parallel_loop3A_100, %parallel_loop3A_101 : i32
      %parallel_loop3A_103 = arith.index_cast %parallel_loop3A_98 : i32 to index
      %parallel_loop3A_104 = arith.index_cast %parallel_loop3A_102 : i32 to index
      %parallel_loop3A_105 = tpu.vector_load %arg7[%parallel_loop3A_103, %parallel_loop3A_104] {strides = array<i32>} : memref<50x128xi32, #tpu.memory_space<vmem>>, vector<16xi32>,
      %parallel_loop3A_106 = tpu.vector_load_idx %arg5[%parallel_loop3A_105] : memref<100000xi32, #tpu.memory_space<vmem>>[vector<16xi32>], vector<16xi32>,
      %parallel_loop3A_107 = vector.bitcast %parallel_loop3A_106 : vector<16xi32> to vector<16xi32>
      %parallel_loop3A_108 = arith.index_cast %parallel_loop3A_98 : i32 to index
      %parallel_loop3A_109 = arith.index_cast %parallel_loop3A_102 : i32 to index
      %parallel_loop3A_110 = tpu.vector_load %arg9[%parallel_loop3A_108, %parallel_loop3A_109] {strides = array<i32>} : memref<50x128xi32, #tpu.memory_space<vmem>>, vector<16xi32>,
      tpu.vector_store %arg9[%parallel_loop3A_108, %parallel_loop3A_109], %parallel_loop3A_107 {strides = array<i32>} : memref<50x128xi32, #tpu.memory_space<vmem>>, vector<16xi32>,
    } {sc.loop_unroll_factor = 16 : i64, sc.parallel_access}
    %add3A_23 = arith.constant 0 : i32
    %add3A_24 = arith.addi %mul3A_2, %add3A_23 : i32
    %dma_start3A_25 = arith.constant 0 : i32
    %dma_start3A_26 = tpu.memref_slice %arg4[%dma_start3A_25, %add3A_24] : memref<50x16384xi32, #tpu.memory_space<hbm>> -> memref<50x128xi32, #tpu.memory_space<hbm>>
    %dma_start3A_27 = arith.constant 0 : i32
    %dma_start3A_28 = tpu.memref_slice %arg4[%dma_start3A_27, %add3A_24] : memref<50x16384xi32, #tpu.memory_space<hbm>> -> memref<50x128xi32, #tpu.memory_space<hbm>>
    tpu.enqueue_dma source(%arg9 : memref<50x128xi32, #tpu.memory_space<vmem>>) target(%dma_start3A_28 : memref<50x128xi32, #tpu.memory_space<hbm>>) target_semaphore(%arg13 : memref<!tpu.dma_semaphore, #tpu.memory_space<semaphore_mem>>)
    %dma_wait3A_29 = arith.constant 0 : i32
    %dma_wait3A_30 = tpu.memref_slice %arg2[%dma_wait3A_29, %add3A_15] : memref<50x16384xi32, #tpu.memory_space<hbm>> -> memref<50x128xi32, #tpu.memory_space<hbm>>
    %dma_wait3A_31 = arith.constant 0 : i32
    %dma_wait3A_32 = tpu.memref_slice %arg2[%dma_wait3A_31, %add3A_15] : memref<50x16384xi32, #tpu.memory_space<hbm>> -> memref<50x128xi32, #tpu.memory_space<hbm>>
    tpu.wait_dma2 semaphore(%arg12 : memref<!tpu.dma_semaphore, #tpu.memory_space<semaphore_mem>>) src(%dma_wait3A_32 : memref<50x128xi32, #tpu.memory_space<hbm>>) dst(%arg8 : memref<50x128xi32, #tpu.memory_space<vmem>>)
    %add3A_33 = arith.constant 256 : i32
    %add3A_34 = arith.addi %mul3A_2, %add3A_33 : i32
    %dma_start3A_35 = arith.constant 0 : i32
    %dma_start3A_36 = tpu.memref_slice %arg2[%dma_start3A_35, %add3A_34] : memref<50x16384xi32, #tpu.memory_space<hbm>> -> memref<50x128xi32, #tpu.memory_space<hbm>>
    %dma_start3A_37 = arith.constant 0 : i32
    %dma_start3A_38 = tpu.memref_slice %arg2[%dma_start3A_37, %add3A_34] : memref<50x16384xi32, #tpu.memory_space<hbm>> -> memref<50x128xi32, #tpu.memory_space<hbm>>
    tpu.enqueue_dma source(%dma_start3A_38 : memref<50x128xi32, #tpu.memory_space<hbm>>) target(%arg7 : memref<50x128xi32, #tpu.memory_space<vmem>>) target_semaphore(%arg11 : memref<!tpu.dma_semaphore, #tpu.memory_space<semaphore_mem>>)
    %parallel_loop3A_39 = arith.constant 0 : i32
    %parallel_loop3A_40 = arith.constant 400 : i32
    %parallel_loop3A_41 = arith.constant 1 : i32
    scf.for %parallel_loop3A_96 = %parallel_loop3A_39 to %parallel_loop3A_40 step %parallel_loop3A_41  : i32 {
      %parallel_loop3A_97 = arith.constant 8 : i32
      %parallel_loop3A_98 = arith.divsi %parallel_loop3A_96, %parallel_loop3A_97 : i32
      %parallel_loop3A_99 = arith.constant 8 : i32
      %parallel_loop3A_100 = arith.remsi %parallel_loop3A_96, %parallel_loop3A_99 : i32
      %parallel_loop3A_101 = arith.constant 16 : i32
      %parallel_loop3A_102 = arith.muli %parallel_loop3A_100, %parallel_loop3A_101 : i32
      %parallel_loop3A_103 = arith.index_cast %parallel_loop3A_98 : i32 to index
      %parallel_loop3A_104 = arith.index_cast %parallel_loop3A_102 : i32 to index
      %parallel_loop3A_105 = tpu.vector_load %arg8[%parallel_loop3A_103, %parallel_loop3A_104] {strides = array<i32>} : memref<50x128xi32, #tpu.memory_space<vmem>>, vector<16xi32>,
      %parallel_loop3A_106 = tpu.vector_load_idx %arg5[%parallel_loop3A_105] : memref<100000xi32, #tpu.memory_space<vmem>>[vector<16xi32>], vector<16xi32>,
      %parallel_loop3A_107 = vector.bitcast %parallel_loop3A_106 : vector<16xi32> to vector<16xi32>
      %parallel_loop3A_108 = arith.index_cast %parallel_loop3A_98 : i32 to index
      %parallel_loop3A_109 = arith.index_cast %parallel_loop3A_102 : i32 to index
      %parallel_loop3A_110 = tpu.vector_load %arg10[%parallel_loop3A_108, %parallel_loop3A_109] {strides = array<i32>} : memref<50x128xi32, #tpu.memory_space<vmem>>, vector<16xi32>,
      tpu.vector_store %arg10[%parallel_loop3A_108, %parallel_loop3A_109], %parallel_loop3A_107 {strides = array<i32>} : memref<50x128xi32, #tpu.memory_space<vmem>>, vector<16xi32>,
    } {sc.loop_unroll_factor = 16 : i64, sc.parallel_access}
    %add3A_42 = arith.constant 128 : i32
    %add3A_43 = arith.addi %mul3A_2, %add3A_42 : i32
    %dma_start3A_44 = arith.constant 0 : i32
    %dma_start3A_45 = tpu.memref_slice %arg4[%dma_start3A_44, %add3A_43] : memref<50x16384xi32, #tpu.memory_space<hbm>> -> memref<50x128xi32, #tpu.memory_space<hbm>>
    %dma_start3A_46 = arith.constant 0 : i32
    %dma_start3A_47 = tpu.memref_slice %arg4[%dma_start3A_46, %add3A_43] : memref<50x16384xi32, #tpu.memory_space<hbm>> -> memref<50x128xi32, #tpu.memory_space<hbm>>
    tpu.enqueue_dma source(%arg10 : memref<50x128xi32, #tpu.memory_space<vmem>>) target(%dma_start3A_47 : memref<50x128xi32, #tpu.memory_space<hbm>>) target_semaphore(%arg14 : memref<!tpu.dma_semaphore, #tpu.memory_space<semaphore_mem>>)
    %dma_wait3A_48 = arith.constant 0 : i32
    %dma_wait3A_49 = tpu.memref_slice %arg2[%dma_wait3A_48, %add3A_34] : memref<50x16384xi32, #tpu.memory_space<hbm>> -> memref<50x128xi32, #tpu.memory_space<hbm>>
    %dma_wait3A_50 = arith.constant 0 : i32
    %dma_wait3A_51 = tpu.memref_slice %arg2[%dma_wait3A_50, %add3A_34] : memref<50x16384xi32, #tpu.memory_space<hbm>> -> memref<50x128xi32, #tpu.memory_space<hbm>>
    tpu.wait_dma2 semaphore(%arg11 : memref<!tpu.dma_semaphore, #tpu.memory_space<semaphore_mem>>) src(%dma_wait3A_51 : memref<50x128xi32, #tpu.memory_space<hbm>>) dst(%arg7 : memref<50x128xi32, #tpu.memory_space<vmem>>)
    %add3A_52 = arith.constant 384 : i32
    %add3A_53 = arith.addi %mul3A_2, %add3A_52 : i32
    %dma_start3A_54 = arith.constant 0 : i32
    %dma_start3A_55 = tpu.memref_slice %arg2[%dma_start3A_54, %add3A_53] : memref<50x16384xi32, #tpu.memory_space<hbm>> -> memref<50x128xi32, #tpu.memory_space<hbm>>
    %dma_start3A_56 = arith.constant 0 : i32
    %dma_start3A_57 = tpu.memref_slice %arg2[%dma_start3A_56, %add3A_53] : memref<50x16384xi32, #tpu.memory_space<hbm>> -> memref<50x128xi32, #tpu.memory_space<hbm>>
    tpu.enqueue_dma source(%dma_start3A_57 : memref<50x128xi32, #tpu.memory_space<hbm>>) target(%arg8 : memref<50x128xi32, #tpu.memory_space<vmem>>) target_semaphore(%arg12 : memref<!tpu.dma_semaphore, #tpu.memory_space<semaphore_mem>>)
    %dma_wait3A_58 = arith.constant 0 : i32
    %dma_wait3A_59 = tpu.memref_slice %arg4[%dma_wait3A_58, %add3A_24] : memref<50x16384xi32, #tpu.memory_space<hbm>> -> memref<50x128xi32, #tpu.memory_space<hbm>>
    %dma_wait3A_60 = arith.constant 0 : i32
    %dma_wait3A_61 = tpu.memref_slice %arg4[%dma_wait3A_60, %add3A_24] : memref<50x16384xi32, #tpu.memory_space<hbm>> -> memref<50x128xi32, #tpu.memory_space<hbm>>
    tpu.wait_dma2 semaphore(%arg13 : memref<!tpu.dma_semaphore, #tpu.memory_space<semaphore_mem>>) src(%arg9 : memref<50x128xi32, #tpu.memory_space<vmem>>) dst(%dma_wait3A_61 : memref<50x128xi32, #tpu.memory_space<hbm>>)
    %parallel_loop3A_62 = arith.constant 0 : i32
    %parallel_loop3A_63 = arith.constant 400 : i32
    %parallel_loop3A_64 = arith.constant 1 : i32
    scf.for %parallel_loop3A_96 = %parallel_loop3A_62 to %parallel_loop3A_63 step %parallel_loop3A_64  : i32 {
      %parallel_loop3A_97 = arith.constant 8 : i32
      %parallel_loop3A_98 = arith.divsi %parallel_loop3A_96, %parallel_loop3A_97 : i32
      %parallel_loop3A_99 = arith.constant 8 : i32
      %parallel_loop3A_100 = arith.remsi %parallel_loop3A_96, %parallel_loop3A_99 : i32
      %parallel_loop3A_101 = arith.constant 16 : i32
      %parallel_loop3A_102 = arith.muli %parallel_loop3A_100, %parallel_loop3A_101 : i32
      %parallel_loop3A_103 = arith.index_cast %parallel_loop3A_98 : i32 to index
      %parallel_loop3A_104 = arith.index_cast %parallel_loop3A_102 : i32 to index
      %parallel_loop3A_105 = tpu.vector_load %arg7[%parallel_loop3A_103, %parallel_loop3A_104] {strides = array<i32>} : memref<50x128xi32, #tpu.memory_space<vmem>>, vector<16xi32>,
      %parallel_loop3A_106 = tpu.vector_load_idx %arg5[%parallel_loop3A_105] : memref<100000xi32, #tpu.memory_space<vmem>>[vector<16xi32>], vector<16xi32>,
      %parallel_loop3A_107 = vector.bitcast %parallel_loop3A_106 : vector<16xi32> to vector<16xi32>
      %parallel_loop3A_108 = arith.index_cast %parallel_loop3A_98 : i32 to index
      %parallel_loop3A_109 = arith.index_cast %parallel_loop3A_102 : i32 to index
      %parallel_loop3A_110 = tpu.vector_load %arg9[%parallel_loop3A_108, %parallel_loop3A_109] {strides = array<i32>} : memref<50x128xi32, #tpu.memory_space<vmem>>, vector<16xi32>,
      tpu.vector_store %arg9[%parallel_loop3A_108, %parallel_loop3A_109], %parallel_loop3A_107 {strides = array<i32>} : memref<50x128xi32, #tpu.memory_space<vmem>>, vector<16xi32>,
    } {sc.loop_unroll_factor = 16 : i64, sc.parallel_access}
    %add3A_65 = arith.constant 256 : i32
    %add3A_66 = arith.addi %mul3A_2, %add3A_65 : i32
    %dma_start3A_67 = arith.constant 0 : i32
    %dma_start3A_68 = tpu.memref_slice %arg4[%dma_start3A_67, %add3A_66] : memref<50x16384xi32, #tpu.memory_space<hbm>> -> memref<50x128xi32, #tpu.memory_space<hbm>>
    %dma_start3A_69 = arith.constant 0 : i32
    %dma_start3A_70 = tpu.memref_slice %arg4[%dma_start3A_69, %add3A_66] : memref<50x16384xi32, #tpu.memory_space<hbm>> -> memref<50x128xi32, #tpu.memory_space<hbm>>
    tpu.enqueue_dma source(%arg9 : memref<50x128xi32, #tpu.memory_space<vmem>>) target(%dma_start3A_70 : memref<50x128xi32, #tpu.memory_space<hbm>>) target_semaphore(%arg13 : memref<!tpu.dma_semaphore, #tpu.memory_space<semaphore_mem>>)
    %dma_wait3A_71 = arith.constant 0 : i32
    %dma_wait3A_72 = tpu.memref_slice %arg2[%dma_wait3A_71, %add3A_53] : memref<50x16384xi32, #tpu.memory_space<hbm>> -> memref<50x128xi32, #tpu.memory_space<hbm>>
    %dma_wait3A_73 = arith.constant 0 : i32
    %dma_wait3A_74 = tpu.memref_slice %arg2[%dma_wait3A_73, %add3A_53] : memref<50x16384xi32, #tpu.memory_space<hbm>> -> memref<50x128xi32, #tpu.memory_space<hbm>>
    tpu.wait_dma2 semaphore(%arg12 : memref<!tpu.dma_semaphore, #tpu.memory_space<semaphore_mem>>) src(%dma_wait3A_74 : memref<50x128xi32, #tpu.memory_space<hbm>>) dst(%arg8 : memref<50x128xi32, #tpu.memory_space<vmem>>)
    %dma_wait3A_75 = arith.constant 0 : i32
    %dma_wait3A_76 = tpu.memref_slice %arg4[%dma_wait3A_75, %add3A_43] : memref<50x16384xi32, #tpu.memory_space<hbm>> -> memref<50x128xi32, #tpu.memory_space<hbm>>
    %dma_wait3A_77 = arith.constant 0 : i32
    %dma_wait3A_78 = tpu.memref_slice %arg4[%dma_wait3A_77, %add3A_43] : memref<50x16384xi32, #tpu.memory_space<hbm>> -> memref<50x128xi32, #tpu.memory_space<hbm>>
    tpu.wait_dma2 semaphore(%arg14 : memref<!tpu.dma_semaphore, #tpu.memory_space<semaphore_mem>>) src(%arg10 : memref<50x128xi32, #tpu.memory_space<vmem>>) dst(%dma_wait3A_78 : memref<50x128xi32, #tpu.memory_space<hbm>>)
    %parallel_loop3A_79 = arith.constant 0 : i32
    %parallel_loop3A_80 = arith.constant 400 : i32
    %parallel_loop3A_81 = arith.constant 1 : i32
    scf.for %parallel_loop3A_96 = %parallel_loop3A_79 to %parallel_loop3A_80 step %parallel_loop3A_81  : i32 {
      %parallel_loop3A_97 = arith.constant 8 : i32
      %parallel_loop3A_98 = arith.divsi %parallel_loop3A_96, %parallel_loop3A_97 : i32
      %parallel_loop3A_99 = arith.constant 8 : i32
      %parallel_loop3A_100 = arith.remsi %parallel_loop3A_96, %parallel_loop3A_99 : i32
      %parallel_loop3A_101 = arith.constant 16 : i32
      %parallel_loop3A_102 = arith.muli %parallel_loop3A_100, %parallel_loop3A_101 : i32
      %parallel_loop3A_103 = arith.index_cast %parallel_loop3A_98 : i32 to index
      %parallel_loop3A_104 = arith.index_cast %parallel_loop3A_102 : i32 to index
      %parallel_loop3A_105 = tpu.vector_load %arg8[%parallel_loop3A_103, %parallel_loop3A_104] {strides = array<i32>} : memref<50x128xi32, #tpu.memory_space<vmem>>, vector<16xi32>,
      %parallel_loop3A_106 = tpu.vector_load_idx %arg5[%parallel_loop3A_105] : memref<100000xi32, #tpu.memory_space<vmem>>[vector<16xi32>], vector<16xi32>,
      %parallel_loop3A_107 = vector.bitcast %parallel_loop3A_106 : vector<16xi32> to vector<16xi32>
      %parallel_loop3A_108 = arith.index_cast %parallel_loop3A_98 : i32 to index
      %parallel_loop3A_109 = arith.index_cast %parallel_loop3A_102 : i32 to index
      %parallel_loop3A_110 = tpu.vector_load %arg10[%parallel_loop3A_108, %parallel_loop3A_109] {strides = array<i32>} : memref<50x128xi32, #tpu.memory_space<vmem>>, vector<16xi32>,
      tpu.vector_store %arg10[%parallel_loop3A_108, %parallel_loop3A_109], %parallel_loop3A_107 {strides = array<i32>} : memref<50x128xi32, #tpu.memory_space<vmem>>, vector<16xi32>,
    } {sc.loop_unroll_factor = 16 : i64, sc.parallel_access}
    %add3A_82 = arith.constant 384 : i32
    %add3A_83 = arith.addi %mul3A_2, %add3A_82 : i32
    %dma_start3A_84 = arith.constant 0 : i32
    %dma_start3A_85 = tpu.memref_slice %arg4[%dma_start3A_84, %add3A_83] : memref<50x16384xi32, #tpu.memory_space<hbm>> -> memref<50x128xi32, #tpu.memory_space<hbm>>
    %dma_start3A_86 = arith.constant 0 : i32
    %dma_start3A_87 = tpu.memref_slice %arg4[%dma_start3A_86, %add3A_83] : memref<50x16384xi32, #tpu.memory_space<hbm>> -> memref<50x128xi32, #tpu.memory_space<hbm>>
    tpu.enqueue_dma source(%arg10 : memref<50x128xi32, #tpu.memory_space<vmem>>) target(%dma_start3A_87 : memref<50x128xi32, #tpu.memory_space<hbm>>) target_semaphore(%arg14 : memref<!tpu.dma_semaphore, #tpu.memory_space<semaphore_mem>>)
    %dma_wait3A_88 = arith.constant 0 : i32
    %dma_wait3A_89 = tpu.memref_slice %arg4[%dma_wait3A_88, %add3A_66] : memref<50x16384xi32, #tpu.memory_space<hbm>> -> memref<50x128xi32, #tpu.memory_space<hbm>>
    %dma_wait3A_90 = arith.constant 0 : i32
    %dma_wait3A_91 = tpu.memref_slice %arg4[%dma_wait3A_90, %add3A_66] : memref<50x16384xi32, #tpu.memory_space<hbm>> -> memref<50x128xi32, #tpu.memory_space<hbm>>
    tpu.wait_dma2 semaphore(%arg13 : memref<!tpu.dma_semaphore, #tpu.memory_space<semaphore_mem>>) src(%arg9 : memref<50x128xi32, #tpu.memory_space<vmem>>) dst(%dma_wait3A_91 : memref<50x128xi32, #tpu.memory_space<hbm>>)
    %dma_wait3A_92 = arith.constant 0 : i32
    %dma_wait3A_93 = tpu.memref_slice %arg4[%dma_wait3A_92, %add3A_83] : memref<50x16384xi32, #tpu.memory_space<hbm>> -> memref<50x128xi32, #tpu.memory_space<hbm>>
    %dma_wait3A_94 = arith.constant 0 : i32
    %dma_wait3A_95 = tpu.memref_slice %arg4[%dma_wait3A_94, %add3A_83] : memref<50x16384xi32, #tpu.memory_space<hbm>> -> memref<50x128xi32, #tpu.memory_space<hbm>>
    tpu.wait_dma2 semaphore(%arg14 : memref<!tpu.dma_semaphore, #tpu.memory_space<semaphore_mem>>) src(%arg10 : memref<50x128xi32, #tpu.memory_space<vmem>>) dst(%dma_wait3A_95 : memref<50x128xi32, #tpu.memory_space<hbm>>)
    return
  }
}

</mosaic_0001>

<sc_bundles>
// kernel: kernel.3.cloned.1.call-start
scs
__scs_entry_jumppad:
0x0: {  	(pc) =	sbr.rel $0x88, $3  }
0x1: {  	(tag) =	ssettag $0x0;
	lr =	simm.s32 $0x1  }
0x2: {  	[smem:$0x3F9F] =	sst lr;
	_ =	strace $0xD0000000  }
0x3: {  	_ = 	snop  }
0x4: {  	_ = 	snop  }
0x5: {  	_ = 	snop  }
0x6: {  	_ = 	snop  }
0x7: {  	_ = 	snop  }
__scs_overlays_trampoline_lowered:
0x8: {  	[smem:$0x3FAE] =	sst s0  }
0x9: {  	[smem:$0x3FAF] =	sst s1  }
0xa: {  	[smem:$0x3FB0] =	sst s2  }
0xb: {  	[smem:$0x3FB1] =	sst s3  }
0xc: {  	[smem:$0x3FB2] =	sst s4  }
0xd: {  	[smem:$0x3FB3] =	sst s5  }
0xe: {  	[smem:$0x3FB4] =	sst s6  }
0xf: {  	[smem:$0x3FB5] =	sst s7  }
0x10: {  	[smem:$0x3FB6] =	sst s8  }
0x11: {  	[smem:$0x3FB7] =	sst s9;
	s0 =	simm.s32 @!p0 $0x0  }
0x12: {  	s1 =	sld [smem:$0x3F9D];
	s0 =	simm.s32 @p0 $0x1  }
0x13: {  	[smem:$0x3FB8] =	sst s0;
	s0 =	simm.s32 @!p1 $0x0  }
0x14: {  	s2 =	sld [smem:$0x3F9C];
	s0 =	simm.s32 @p1 $0x1  }
0x15: {  	[smem:$0x3FB9] =	sst s0;
	s0 =	simm.s32 @!p2 $0x0  }
0x16: {  	s3 =	sld [smem:$0x3FDB];
	s0 =	simm.s32 @p2 $0x1  }
0x17: {  	s4 =	simm.s32 $0x1BF5;
	[smem:$0x3FBB] =	sst s0  }
0x18: {  	s0 =	sld [smem:$0x3F9E];
	_ =	swait.ge [sflag:s4], $0x0  }
0x19: {  	s7 =	sld [smem:$0x3F9F]  }
0x1a: {  	s8 =	sadd.s32 $0xFFFFE003, lr  }
0x1b: {  	s9 =	sadd.s32 $0xFFFFFEF7, lr;
	s5 =	simm.s32 $0xFFFFFFFF;
	p2 =	slt.u32 s8, $0xFFFFF086  }
0x1c: {  	p1 =	slt.u32 s9, $0xF7A;
	s5 =	simm.s32 @!p2 $0x0  }
0x1d: {  	s5 =	simm.s32 @p1 $0x1;
	p0 =	seq.s32 s7, s2  }
0x1e: {  	s7 =	smul.u32 @!p0 $0xF7A, s2;
	p2 =	seq.s32 @!p0 s5, $0x0  }
0x1f: {  	s9 =	smul.u32 $0xF7A, s1;
	s8 =	simm.s32 @!p0 $0x1BF5;
	p2 =	por !p2, p0  }
0x20: {  	[sflag:s8] =	ssyncset.s32 @!p0 $0xFFFFF086;
	s6 =	sadd.s32 @!p0 s3, s7;
	s7 =	simm.s32 @!p0 $0x108  }
0x21: {  	s3 =	sadd.s32 s3, s9;
	s6 =	sadd.s32 @!p0 $0x88, s6;
	s7 =	simm.s32 @p2 $0x1082  }
0x22: {  	[simem:s7], [sflag:s8] =	dma.local @!p0 [hbm:s6], $0xF7A  }
0x23: {  	s9 =	sor.u32 $0xD0000000, s2;
	s6 =	simm.s32 $0x108;
	_ =	swait.ge @!p0 [sflag:s8], $0x0  }
0x24: {  	s3 =	sadd.s32 $0x88, s3;
	s6 =	simm.s32 @!p1 $0x1082;
	[sflag:s4] =	ssyncset.s32 $0xFFFFF086  }
0x25: {  	[simem:s6], [sflag:s4] =	dma.local [hbm:s3], $0xF7A  }
0x26: {  	[smem:$0x3F9F] =	sst s1;
	(tag) =	ssettag s2;
	_ =	strace s9  }
0x27: {  	s1 =	sld [smem:$0x3FAF]  }
0x28: {  	s2 =	sld [smem:$0x3FB0]  }
0x29: {  	s4 =	sld [smem:$0x3FB2]  }
0x2a: {  	p0 =	seq.s32 s5, $0x0;
	s5 =	sld [smem:$0x3FB3]  }
0x2b: {  	s6 =	sld [smem:$0x3FB4]  }
0x2c: {  	s7 =	sld [smem:$0x3FB5]  }
0x2d: {  	s3 =	simm.s32 $0x108;
	s8 =	sld [smem:$0x3FB6]  }
0x2e: {  	s3 =	simm.s32 @!p0 $0x1082;
	s9 =	sld [smem:$0x3FB7]  }
0x2f: {  	lr =	sadd.s32 s0, s3;
	s0 =	sld [smem:$0x3FAE]  }
0x30: {  	s3 =	sld [smem:$0x3FB1]  }
0x31: {  	[smem:$0x3FBA] =	sst s10  }
0x32: {  	s10 =	sld [smem:$0x3FB8];
	_ =	sdelay $0x3  }
0x33: {  	p0 =	seq.s32 s10, $0x1;
	s10 =	sld [smem:$0x3FBA];
	_ =	sdelay $0x3  }
0x34: {  	[smem:$0x3FBA] =	sst s10  }
0x35: {  	s10 =	sld [smem:$0x3FB9];
	_ =	sdelay $0x3  }
0x36: {  	p1 =	seq.s32 s10, $0x1;
	s10 =	sld [smem:$0x3FBA];
	_ =	sdelay $0x3  }
0x37: {  	[smem:$0x3FBA] =	sst s10  }
0x38: {  	s10 =	sld [smem:$0x3FBB]  }
0x39: {  	_ = 	snop;
	(pc) =	sbr.ind lr, $3  }
0x3a: {  	_ = 	snop  }
0x3b: {  	_ = 	snop  }
0x3c: {  	p2 =	seq.s32 s10, $0x1;
	s10 =	sld [smem:$0x3FBA]  }
0x3d: {  	_ =	shalt  }
0x3e: {  	_ =	shalt  }
0x3f: {  	_ =	shalt  }
0x40: {  	_ =	shalt  }
0x41: {  	_ =	shalt  }
0x42: {  	_ =	shalt  }
0x43: {  	_ =	shalt  }
0x44: {  	_ =	shalt  }
0x45: {  	_ =	shalt  }
0x46: {  	_ =	shalt  }
0x47: {  	_ =	shalt  }
0x48: {  	_ =	shalt  }
0x49: {  	_ =	shalt  }
0x4a: {  	_ =	shalt  }
0x4b: {  	_ =	shalt  }
0x4c: {  	_ =	shalt  }
0x4d: {  	_ =	shalt  }
0x4e: {  	_ =	shalt  }
0x4f: {  	_ =	shalt  }
0x50: {  	_ =	shalt  }
0x51: {  	_ =	shalt  }
0x52: {  	_ =	shalt  }
0x53: {  	_ =	shalt  }
0x54: {  	_ =	shalt  }
0x55: {  	_ =	shalt  }
0x56: {  	_ =	shalt  }
0x57: {  	_ =	shalt  }
0x58: {  	_ =	shalt  }
0x59: {  	_ =	shalt  }
0x5a: {  	_ =	shalt  }
0x5b: {  	_ =	shalt  }
0x5c: {  	_ =	shalt  }
0x5d: {  	_ =	shalt  }
0x5e: {  	_ =	shalt  }
0x5f: {  	_ =	shalt  }
0x60: {  	_ =	shalt  }
0x61: {  	_ =	shalt  }
0x62: {  	_ =	shalt  }
0x63: {  	_ =	shalt  }
0x64: {  	_ =	shalt  }
0x65: {  	_ =	shalt  }
0x66: {  	_ =	shalt  }
0x67: {  	_ =	shalt  }
0x68: {  	_ =	shalt  }
0x69: {  	_ =	shalt  }
0x6a: {  	_ =	shalt  }
0x6b: {  	_ =	shalt  }
0x6c: {  	_ =	shalt  }
0x6d: {  	_ =	shalt  }
0x6e: {  	_ =	shalt  }
0x6f: {  	_ =	shalt  }
0x70: {  	_ =	shalt  }
0x71: {  	_ =	shalt  }
0x72: {  	_ =	shalt  }
0x73: {  	_ =	shalt  }
0x74: {  	_ =	shalt  }
0x75: {  	_ =	shalt  }
0x76: {  	_ =	shalt  }
0x77: {  	_ =	shalt  }
0x78: {  	_ =	shalt  }
0x79: {  	_ =	shalt  }
0x7a: {  	_ =	shalt  }
0x7b: {  	_ =	shalt  }
0x7c: {  	_ =	shalt  }
0x7d: {  	_ =	shalt  }
0x7e: {  	_ =	shalt  }
0x7f: {  	_ =	shalt  }
0x80: {  	_ =	shalt  }
0x81: {  	_ =	shalt  }
0x82: {  	_ =	shalt  }
0x83: {  	_ =	shalt  }
0x84: {  	_ =	shalt  }
0x85: {  	_ =	shalt  }
0x86: {  	_ =	shalt  }
0x87: {  	_ =	shalt  }
.Lfunc_end0:
.L_simem_size_0:
called_computation_lowered:
.L_overlay_start_0:
0x88: {  	s2 =	sld [smem:$0x3FD9]  }
0x89: {  	s3 =	sld [smem:$0x3FFE];
	_ =	sdelay $0x1  }
0x8a: {  	s1 =	srdreg.scid  }
0x8b: {  	s0 =	sand.u32 $0x1, s1  }
0x8c: {  	s17 =	sshll.u32 s0, $0xA;
	s2 =	sadd.s32 s3, s2  }
0x8d: {  	s2 =	sadd.s32 s2, s17  }
0x8e: {  	[smem:$0x3FC6] =	sst s2  }
0x8f: {  	_ = 	snop  }
0x90: {  	s2 =	sld [smem:$0x3FD0];
	(tm) =	ssettm $0x1  }
0x91: {  	s18 =	sld [smem:$0x3FFB];
	_ =	sdelay $0x3  }
0x92: {  	_ =	strace s18  }
0x93: {  	s3 =	sld [smem:$0x3FFC];
	_ =	sdelay $0x3  }
0x94: {  	_ =	strace s3  }
0x95: {  	s3 =	sld [smem:$0x3FFD];
	_ =	sdelay $0x3  }
0x96: {  	_ =	strace s3  }
0x97: {  	_ =	strace $0x8FFFFFFF  }
0x98: {  	s19 =	sld [smem:$0x3FDB];
	_ =	sdelay $0x1  }
0x99: {  	s4 =	simm.s32 $_scs_section_size  }
0x9a: {  	s5 =	simm.s32 $_size__tile_overlayer_lowered;
	s6 =	simm.s32 $_tile_overlayer_lowered  }
0x9b: {  	s22 =	simm.s32 $0x1BFF;
	s21 =	sshll.u32 s6, $0x1;
	s3 =	sadd.s32 s4, s19  }
0x9c: {  	s7 =	simm.s32 $0x0;
	s20 =	sshll.u32 s5, $0x1;
	s5 =	sadd.s32 s21, s3  }
0x9d: {  	[timem:s7], [sflag:s22] =	dma.local [hbm:s5], s20  }
0x9e: {  	_ =	swait.ge [sflag:s22], s20  }
0x9f: {  	s4 =	ssub.s32 $0x0, s20;
	[sflag:s22] =	ssyncset.done $0x0  }
0xa0: {  	[sflag:s22] =	ssyncadd.s32 s4;
	_ =	sdelay $0x1  }
0xa1: {  	s23 =	simm.s32 $0x1B8B  }
0xa2: {  	_ =	swait.ge [sflag:s23], $0x1  }
0xa3: {  	[sflag:s23] =	ssyncset.done $0x0  }
0xa4: {  	s25 =	simm.s32 $0x1B8E;
	s24 =	sld [smem:$0x3FFE];
	[sflag:s23] =	ssyncadd.s32 $0xFFFFFFFF  }
0xa5: {  	s26 =	simm.s32 $execute0_lowered;
	[smem:$0x3FD2] =	sst s25  }
0xa6: {  	s5 =	sshll.u32 s26, $0x1;
	_ =	strace $0x80000046;
	[dreg:$0x1] =	wrdreg $0xFFFFFFFF  }
0xa7: {  	s28 =	simm.s32 $_size_execute0_lowered;
	s3 =	sadd.s32 s3, s5;
	[dreg:$0x0] =	wrdreg $0x0  }
0xa8: {  	s5 =	sshll.u32 s28, $0x1;
	[dreg:$0x2] =	wrdreg s3  }
0xa9: {  	[dreg:$0x3] =	wrdreg s5  }
0xaa: {  	[dreg:$0x4] =	wrdreg $0xC0  }
0xab: {  	_ =	task [dreg:s7], $0x5FFFF  }
0xac: {  	[dreg:$0x1] =	wrdreg $0xFFFFFFFF  }
0xad: {  	[dreg:$0x0] =	wrdreg $0x60  }
0xae: {  	[dreg:$0x2] =	wrdreg s2  }
0xaf: {  	[dreg:$0x3] =	wrdreg s24  }
0xb0: {  	[dreg:$0x4] =	wrdreg $0x9  }
0xb1: {  	_ =	task.clear_ibuf [dreg:s7], $0x5FFFF;
	_ =	strace $0x90000046  }
0xb2: {  	s29 =	simm.s32 $0x9;
	_ =	strace $0x80000048  }
0xb3: {  	_ =	swait.ge [sflag:s29], $0x1  }
0xb4: {  	[sflag:s29] =	ssyncadd.s32 $0xFFFFFFFF  }
0xb5: {  	_ =	strace $0x90000048  }
0xb6: {  	_ =	sfence  }
0xb7: {  	s30 =	sld [smem:$0x0];
	_ =	sdelay $0x2  }
0xb8: {  	s31 =	sshll.u32 s1, $0xD;
	s1 =	sshrl.u32 s1, $0x2  }
0xb9: {  	s3 =	sand.u32 $0x4000, s31;
	s1 =	sadd.s32 s1, s30  }
0xba: {  	s0 =	sor.u32 s3, s0;
	s1 =	sshll.u32 s1, $0x11  }
0xbb: {  	s0 =	sor.u32 s1, s0  }
0xbc: {  	s0 =	sadd.s32 $0x8F2B, s0  }
0xbd: {  	[sflag:s0] =	ssyncadd.remote.s32 $0x1  }
0xbe: {  	_ =	sfence.sel $0xFFFF  }
0xbf: {  	[dreg:$0x0] =	wrdreg $0xFFFFFFFF;
	(pc) =	sbr.abs _section_cstart, $3  }
0xc0: {  	[dreg:$0x1] =	wrdreg $0xFFFFFFFF  }
0xc1: {  	_ =	task.clear_ibuf [dreg:s7], $0x2FFFF;
	_ =	strace $0x9FFFFFFF  }
0xc2: {  	(tm) =	ssettm $0x7FFFFFFF  }
0xc3: {  	_ =	shalt  }
tec
execute0_lowered:
.L_overlay_start_1:
0x0: {  	(tag) =	ssettag $0x1  }
0x1: {  	v0 =	vimm.s32 $0x3F4;
	vm2 =	vcmask $0x300  }
0x2: {  	vm11 =	vcmask $0x704;
	vm6 =	vcmask $0xB08;
	vm10 =	vcmask $0xF0C  }
0x3: {  	vm9 =	vcmask $0x1310;
	vm8 =	vcmask $0x1714;
	vm7 =	vcmask $0x1B18  }
0x4: {  	vm5 =	vcmask $0x1F1C;
	vm4 =	vcmask $0x2320;
	vm3 =	vcmask $0x2724  }
0x5: {  	vm0 =	vcmask $0x2B28;
	v8 =	vimm.s32 $0x3F0;
	vm1 =	vcmask $0x2F2C  }
0x6: {  	v9 =	vimm.s32 $0x3EC;
	vm13 =	vcmask $0x3330;
	vm14 =	vcmask $0x3734  }
0x7: {  	vm15 =	vcmask $0x3B38;
	v0 =	vsel vm2, $0x449, v0;
	v8 =	vsel vm2, $0x445, v8  }
0x8: {  	v9 =	vsel vm2, $0x441, v9;
	v0 =	vsel vm11, $0x44A, v0;
	v8 =	vsel vm11, $0x446, v8  }
0x9: {  	v9 =	vsel vm11, $0x442, v9;
	v1 =	vsel vm6, $0x44B, v0;
	v0 =	vlaneseq.u32  }
0xa: {  	v8 =	vsel vm6, $0x447, v8;
	v9 =	vsel vm6, $0x443, v9;
	v2 =	vsel vm10, $0x44C, v1  }
0xb: {  	v1 =	vadd.s32 $0x3E9, v0;
	v8 =	vsel vm10, $0x448, v8;
	v9 =	vsel vm10, $0x444, v9  }
0xc: {  	v16 =	vadd.s32 $0x411, v0;
	v18 =	vadd.s32 $0x431, v0;
	v20 =	vadd.s32 $0x3ED, v0  }
0xd: {  	s0 =	rddreg [dreg:$0x0];
	v21 =	vadd.s32 $0x3FD, v0;
	v22 =	vadd.s32 $0x40D, v0;
	v23 =	vadd.s32 $0x41D, v0  }
0xe: {  	s2 =	rddreg [dreg:$0x1];
	s1 =	simm.s32 $0x0;
	s3 =	srdreg.scid;
	v24 =	vadd.s32 $0x42D, v0;
	v25 =	vadd.s32 $0x43D, v0;
	v3 =	vsel vm9, $0x3E9, v2  }
0xf: {  	s4 =	stileid.u32;
	s14 =	simm.s32 $0x400;
	s15 =	simm.s32 $0x20000;
	v2 =	vadd.s32 $0x3F9, v0;
	v8 =	vsel vm9, $0x449, v8;
	v9 =	vsel vm9, $0x445, v9  }
0x10: {  	s19 =	simm.s32 $0x5;
	s20 =	simm.s32 $0x1;
	s21 =	simm.s32 $0x1A700;
	v4 =	vsel vm8, $0x3EA, v3;
	v3 =	vadd.s32 $0x409, v0;
	v8 =	vsel vm8, $0x44A, v8  }
0x11: {  	s22 =	simm.s32 $0x1BF00;
	s23 =	simm.s32 $0x1C300;
	s24 =	simm.s32 $0x1DB00;
	v9 =	vsel vm8, $0x446, v9;
	v5 =	vsel vm7, $0x3EB, v4;
	v4 =	vadd.s32 $0x419, v0  }
0x12: {  	s28 =	simm.s32 $0x1F700;
	s29 =	simm.s32 $0x3;
	s30 =	simm.s32 $0x4;
	v8 =	vsel vm7, $0x44B, v8;
	v9 =	vsel vm7, $0x447, v9;
	v6 =	vsel vm5, $0x3EC, v5  }
0x13: {  	s31 =	simm.s32 $0x0;
	[smem:$0x7FF] =	sst s1;
	s3 =	sand.u32 $0x1, s3;
	v5 =	vadd.s32 $0x429, v0;
	v8 =	vsel vm5, $0x44C, v8;
	v11 =	vsel vm5, $0x448, v9  }
0x14: {  	s4 =	sshll.u32 s4, $0xA;
	s6 =	sadd.s32 $0x400, s2;
	s2 =	sadd.s32 $0x600, s2;
	v9 =	vadd.s32 $0x405, v0;
	v6 =	vsel vm4, $0x3ED, v6;
	v10 =	vsel vm4, $0x3E9, v8  }
0x15: {  	_ =	strace $0x80000047;
	s5 =	sshll.u32 s3, $0x9;
	s3 =	ssub.s32 $0x2, s3;
	v8 =	vadd.s32 $0x3F5, v0;
	v11 =	vsel vm4, $0x449, v11;
	v7 =	vsel vm3, $0x3EE, v6  }
0x16: {  	[dreg:$0x3] =	wrdreg s6;
	s5 =	sor.u32 s5, s4;
	s25 =	sshrl.u32 s3, $0x1;
	v6 =	vadd.s32 $0x439, v0;
	v10 =	vsel vm3, $0x3EA, v10;
	v13 =	vsel vm3, $0x44A, v11  }
0x17: {  	s4 =	sadd.s32 s0, s5;
	s3 =	ssub.s32 s3, s25;
	s9 =	sor.u32 $0x80, s5;
	v11 =	vadd.s32 $0x425, v0;
	v7 =	vsel vm0, $0x3EF, v7;
	v12 =	vsel vm0, $0x3EB, v10  }
0x18: {  	s7 =	sadd.s32 s2, s5;
	s11 =	sor.u32 $0x100, s5;
	s5 =	sor.u32 $0x180, s5;
	v10 =	vadd.s32 $0x415, v0;
	v13 =	vsel vm0, $0x44B, v13;
	v7 =	vsel vm1, $0x3F0, v7  }
0x19: {  	s25 =	simm.s32 $0x2;
	[dreg:$0x4] =	wrdreg s4;
	s4 =	sadd.s32 $0x18000, s4;
	v12 =	vsel vm1, $0x3EC, v12;
	v15 =	vsel vm1, $0x44C, v13;
	v7 =	vsel vm13, $0x3F1, v7  }
0x1a: {  	s6 =	sadd.s32 s0, s9;
	s8 =	sadd.s32 s0, s11;
	s9 =	sadd.s32 s2, s9;
	v14 =	vsel vm13, $0x3ED, v12;
	v12 =	vadd.s32 $0x435, v0;
	v17 =	vsel vm13, $0x3E9, v15  }
0x1b: {  	s10 =	sadd.s32 s0, s5;
	s11 =	sadd.s32 s2, s11;
	s12 =	sadd.s32 s2, s5;
	v15 =	vadd.s32 $0x401, v0;
	v7 =	vsel vm14, $0x3F2, v7;
	v14 =	vsel vm14, $0x3EE, v14  }
0x1c: {  	s26 =	smax.u32 s3, $0x1;
	s3 =	simm.s32 $0x18B00;
	[dreg:$0x5] =	wrdreg s4;
	v19 =	vsel vm14, $0x3EA, v17;
	v17 =	vadd.s32 $0x421, v0;
	v7 =	vsel vm15, $0x3F3, v7  }
0x1d: {  	[dreg:$0x6] =	wrdreg s26;
	s4 =	simm.s32 $0x1A300;
	s26 =	simm.s32 $0x1DF00;
	v13 =	vsel vm15, $0x3EF, v14;
	v14 =	vadd.s32 $0x3F1, v0;
	v19 =	vsel vm15, $0x3EB, v19  }
.LBB2_1:
0x1e: {  	s0 =	rddreg [dreg:$0x4]  }
0x1f: {  	[tilespmem:s3], [sflag:$0x1] =	stream.strided.gather [hbm4b:s0+s14], $0x1800, s15, s14, $0x38;
	[tilespmem:$0x1FB00] =	vst v63  }
0x20: {  	s13 =	rddreg [dreg:$0x5]  }
0x21: {  	[tilespmem:s4], [sflag:$0x1] =	stream.linear.gather [hbm4b:s13+s1], $0x100, $0x38;
	[tilespmem:$0x1FB00] =	vst v63  }
0x22: {  	s16 =	rddreg [dreg:$0x3];
	s2 =	simm.s32 $0x18700  }
0x23: {  	[tilespmem:s2], [sflag:$0x5] =	stream.linear.gather [hbm4b:s16+s1], $0x3E9, $0x38;
	[tilespmem:$0x1FB00] =	vst v63  }
0x24: {  	_ =	swait.ge [sflag:s19], $0x3E9  }
0x25: {  	[sflag:s19] =	ssyncset.done $0x0  }
0x26: {  	s17 =	simm.s32 $0xC0;
	[sflag:s19] =	ssyncadd.s32 $0xFFFFFC17  }
0x27: {  	[tilespmem:s17+$0xFFFFFF40] =	vst v1  }
0x28: {  	[tilespmem:s17+$0xFFFFFF50] =	vst v2  }
0x29: {  	[tilespmem:s17+$0xFFFFFF60] =	vst v3  }
0x2a: {  	[tilespmem:s17+$0xFFFFFF70] =	vst v4  }
0x2b: {  	[tilespmem:s17+$0xFFFFFF80] =	vst v5  }
0x2c: {  	[tilespmem:s17+$0xFFFFFF90] =	vst v6  }
0x2d: {  	[tilespmem:s17+$0xFFFFFFA0] =	vst v7  }
0x2e: {  	[tilespmem:s17+$0xFFFFFFB0] =	vst v8  }
0x2f: {  	[tilespmem:s17+$0xFFFFFFD0] =	vst v10  }
0x30: {  	[tilespmem:s17+$0xFFFFFFE0] =	vst v11  }
0x31: {  	[tilespmem:s17+$0xFFFFFFF0] =	vst v12  }
0x32: {  	[tilespmem:s17+$0x0] =	vst v13  }
0x33: {  	[tilespmem:s17+$0x10] =	vst v14  }
0x34: {  	[tilespmem:s17+$0x20] =	vst v15  }
0x35: {  	[tilespmem:s17+$0x30] =	vst v16  }
0x36: {  	[tilespmem:s17+$0x50] =	vst v18  }
0x37: {  	[tilespmem:s17+$0x60] =	vst v19  }
0x38: {  	[tilespmem:s17+$0x70] =	vst v20  }
0x39: {  	[tilespmem:s17+$0x80] =	vst v21  }
0x3a: {  	s4 =	simm.s32 $0x0;
	s2 =	simm.s32 $0x180;
	[tilespmem:s17+$0x90] =	vst v22  }
0x3b: {  	s5 =	simm.s32 $0x80;
	s3 =	sand.u32 $0x70, s4;
	s18 =	sand.u32 $0x3FF80, s2;
	[tilespmem:s17+$0xA0] =	vst v23  }
0x3c: {  	s5 =	sand.u32 $0x3FF80, s5;
	s16 =	simm.s32 $0x100;
	s13 =	sor.u32 s3, s18;
	[tilespmem:s17+$0xB0] =	vst v24  }
0x3d: {  	s5 =	sor.u32 s3, s5;
	s16 =	sand.u32 $0x3FF80, s16;
	[tilespmem:s13+$0x0] =	vst v25  }
0x3e: {  	[tilespmem:s5+$0x0] =	vst v9;
	s17 =	sor.u32 s3, s16  }
0x3f: {  	s0 =	simm.s32 $0x18720;
	s18 =	simm.s32 $0x0;
	s3 =	simm.s32 $0x250;
	[tilespmem:s17+$0x0] =	vst v17  }
.LBB2_2:
0x40: {  	[tilespmem:s3+$0xFFFFFF40] =	vst v1  }
0x41: {  	[tilespmem:s3+$0xFFFFFF50] =	vst v2  }
0x42: {  	[tilespmem:s3+$0xFFFFFF60] =	vst v3  }
0x43: {  	[tilespmem:s3+$0xFFFFFF70] =	vst v4  }
0x44: {  	[tilespmem:s3+$0xFFFFFF80] =	vst v5  }
0x45: {  	[tilespmem:s3+$0xFFFFFF90] =	vst v6  }
0x46: {  	[tilespmem:s3+$0xFFFFFFA0] =	vst v7  }
0x47: {  	[tilespmem:s3+$0xFFFFFFB0] =	vst v8  }
0x48: {  	[tilespmem:s3+$0xFFFFFFD0] =	vst v10  }
0x49: {  	[tilespmem:s3+$0xFFFFFFE0] =	vst v11  }
0x4a: {  	[tilespmem:s3+$0xFFFFFFF0] =	vst v12  }
0x4b: {  	[tilespmem:s3+$0x0] =	vst v13  }
0x4c: {  	[tilespmem:s3+$0x10] =	vst v14  }
0x4d: {  	[tilespmem:s3+$0x20] =	vst v15  }
0x4e: {  	[tilespmem:s3+$0x30] =	vst v16  }
0x4f: {  	[tilespmem:s3+$0x50] =	vst v18  }
0x50: {  	[tilespmem:s3+$0x60] =	vst v19  }
0x51: {  	[tilespmem:s3+$0x70] =	vst v20  }
0x52: {  	s5 =	simm.s32 $0x0;
	s2 =	sadd.s32 $0x190, s2;
	s18 =	sadd.s32 $0x19, s18;
	[tilespmem:s3+$0x80] =	vst v21  }
0x53: {  	s16 =	sadd.s32 $0xFFFFFE80, s2;
	s17 =	sadd.s32 $0xFFFFFF00, s2;
	p0 =	slt.u32 s18, $0x1851;
	[tilespmem:s3+$0x90] =	vst v22  }
.Ltmp0:
0x54: {  	s4 =	sand.u32 $0x3FF80, s2;
	s16 =	sand.u32 $0x70, s16;
	[tilespmem:s3+$0xA0] =	vst v23;
	(pc) =	sbr.rel @p0 .LBB2_2-.Ltmp0, $4  }
0x55: {  	s13 =	sadd.s32 $0xFFFFFF80, s2;
	s17 =	sand.u32 $0x3FF80, s17;
	s4 =	sor.u32 s16, s4;
	[tilespmem:s3+$0xB0] =	vst v24  }
0x56: {  	s13 =	sand.u32 $0x3FF80, s13;
	s17 =	sor.u32 s16, s17;
	s3 =	sadd.s32 $0x190, s3;
	[tilespmem:s4+$0x0] =	vst v25  }
0x57: {  	s4 =	sor.u32 s16, s13;
	[tilespmem:s17+$0x0] =	vst v9  }
0x58: {  	[tilespmem:s4+$0x0] =	vst v17  }
0x59: {  	v27 =	vld [tilespmem:s0+$0x10];
	s4 =	simm.s32 $0x30  }
0x5a: {  	v28 =	vld [tilespmem:s0+$0xFFFFFFE0];
	v32 =	vor.u32 s4, v0  }
0x5b: {  	v26 =	vor.u32 s5, v0;
	s2 =	simm.s32 $0x10;
	v30 =	vld [tilespmem:s0+$0xFFFFFFF0];
	vm3 =	vlt.u32 v32, $0x3E9  }
0x5c: {  	s18 =	simm.s32 $0x20;
	v33 =	vld [tilespmem:s0+$0x0];
	vm0 =	vlt.u32 v26, $0x3E9;
	v29 =	vor.u32 s2, v0  }
0x5d: {  	v31 =	vor.u32 s18, v0;
	vm1 =	vlt.u32 v29, $0x3E9  }
0x5e: {  	vm2 =	vlt.u32 v31, $0x3E9  }
0x5f: {  	s3 =	simm.s32 $0x0;
	s5 =	simm.s32 $0x18760  }
0x60: {  	s0 =	simm.s32 $0x3C0;
	s2 =	simm.s32 $0x18AC0;
	s18 =	simm.s32 $0x40  }
.LBB2_4:
0x61: {  	v34 =	vor.u32 s18, v0;
	s4 =	sadd.s32 $0x10, s18;
	s13 =	sadd.s32 $0x30, s18;
	s3 =	sadd.s32 $0x4, s3;
	[tilespmem:v27+s1+$0x0] =	vst.idx.msk vm3, v32;
	v27 =	vld [tilespmem:s5+$0x10]  }
0x62: {  	v35 =	vor.u32 s4, v0;
	s4 =	sadd.s32 $0x20, s18;
	v32 =	vor.u32 s13, v0;
	p0 =	slt.u32 s3, $0x38;
	[tilespmem:v28+s1+$0x0] =	vst.idx.msk vm0, v26;
	vm0 =	vlt.u32 v34, $0x3E9;
	v28 =	vld [tilespmem:s5+$0xFFFFFFE0];
	v26 =	vmovc v34  }
0x63: {  	v34 =	vor.u32 s4, v0;
	vm3 =	vlt.u32 v32, $0x3E9;
	[tilespmem:v30+s1+$0x0] =	vst.idx.msk vm1, v29;
	vm1 =	vlt.u32 v35, $0x3E9;
	v30 =	vld [tilespmem:s5+$0xFFFFFFF0];
	v29 =	vmovc v35  }
.Ltmp1:
0x64: {  	[tilespmem:v33+s1+$0x0] =	vst.idx.msk vm2, v31;
	vm2 =	vlt.u32 v34, $0x3E9;
	v33 =	vld [tilespmem:s5+$0x0];
	v31 =	vmov v34;
	(pc) =	sbr.rel @p0 .LBB2_4-.Ltmp1, $2  }
0x65: {  	_ =	sdelay $0x2  }
0x66: {  	s18 =	sadd.s32 $0x40, s18;
	s5 =	sadd.s32 $0x40, s5  }
0x67: {  	_ =	sdelay $0x4  }
0x68: {  	[tilespmem:v27+s1+$0x0] =	vst.idx.msk vm3, v32  }
0x69: {  	[tilespmem:v28+s1+$0x0] =	vst.idx.msk vm0, v26  }
0x6a: {  	[tilespmem:v30+s1+$0x0] =	vst.idx.msk vm1, v29  }
0x6b: {  	[tilespmem:v33+s1+$0x0] =	vst.idx.msk vm2, v31  }
.LBB2_6:
0x6c: {  	v26 =	vld [tilespmem:s2+$0x0]  }
0x6d: {  	v27 =	vor.u32 s0, v0  }
0x6e: {  	vm0 =	vlt.u32 v27, $0x3E9  }
0x6f: {  	p0 =	sne.s32 s0, $0x3E0  }
.Ltmp2:
0x70: {  	_ = 	snop;
	(pc) =	sbr.rel @p0 .LBB2_6-.Ltmp2, $2  }
0x71: {  	_ =	sdelay $0x2  }
0x72: {  	s2 =	sadd.s32 $0x10, s2;
	s0 =	sadd.s32 $0x10, s0;
	[tilespmem:v26+s1+$0x0] =	vst.idx.msk vm0, v27  }
0x73: {  	_ =	swait.ge [sflag:s20], $0x1900  }
0x74: {  	[sflag:s20] =	ssyncset.done $0x0  }
0x75: {  	[sflag:s20] =	ssyncadd.s32 $0xFFFFE700  }
0x76: {  	[tilespmem:s21], [sflag:$0x2] =	stream.strided.gather [hbm4b:s6+s14], $0x1800, s15, s14, $0x38;
	[tilespmem:$0x1FB00] =	vst v63  }
0x77: {  	s0 =	sadd.s32 $0x18000, s6;
	s18 =	simm.s32 $0x18B80  }
0x78: {  	[tilespmem:s22], [sflag:$0x2] =	stream.linear.gather [hbm4b:s0+s1], $0x100, $0x38;
	[tilespmem:$0x1FB00] =	vst v63  }
0x79: {  	v26 =	vld [tilespmem:s18+$0x70]  }
0x7a: {  	v27 =	vld [tilespmem:s18+$0xFFFFFF90]  }
0x7b: {  	v28 =	vld [tilespmem:s18+$0xFFFFFFA0]  }
0x7c: {  	v29 =	vld [tilespmem:s18+$0xFFFFFFB0]  }
0x7d: {  	v30 =	vld [tilespmem:s18+$0xFFFFFFC0]  }
0x7e: {  	v31 =	vld [tilespmem:s18+$0xFFFFFFD0]  }
0x7f: {  	v32 =	vld [tilespmem:s18+$0xFFFFFFE0]  }
0x80: {  	v33 =	vld [tilespmem:s18+$0xFFFFFFF0]  }
0x81: {  	v34 =	vld [tilespmem:s18+$0x0]  }
0x82: {  	v35 =	vld [tilespmem:s18+$0x10]  }
0x83: {  	v36 =	vld [tilespmem:s18+$0x20]  }
0x84: {  	v37 =	vld [tilespmem:s18+$0x30]  }
0x85: {  	v38 =	vld [tilespmem:s18+$0x40]  }
0x86: {  	v39 =	vld [tilespmem:s18+$0x50]  }
0x87: {  	v40 =	vld [tilespmem:s18+$0x60]  }
0x88: {  	v41 =	vld [tilespmem:s18+$0xFFFFFF80]  }
0x89: {  	v26 =	vld.idx.msk [tilespmem:v26+s1+$0x0], $0xffff  }
0x8a: {  	v27 =	vld.idx.msk [tilespmem:v27+s1+$0x0], $0xffff  }
0x8b: {  	v28 =	vld.idx.msk [tilespmem:v28+s1+$0x0], $0xffff  }
0x8c: {  	v29 =	vld.idx.msk [tilespmem:v29+s1+$0x0], $0xffff  }
0x8d: {  	v30 =	vld.idx.msk [tilespmem:v30+s1+$0x0], $0xffff  }
0x8e: {  	s0 =	simm.s32 $0x1C380;
	v31 =	vld.idx.msk [tilespmem:v31+s1+$0x0], $0xffff  }
0x8f: {  	v32 =	vld.idx.msk [tilespmem:v32+s1+$0x0], $0xffff;
	[tilespmem:s0+$0x70] =	vst v26  }
0x90: {  	v33 =	vld.idx.msk [tilespmem:v33+s1+$0x0], $0xffff;
	[tilespmem:s0+$0xFFFFFF90] =	vst v27  }
0x91: {  	v41 =	vld.idx.msk [tilespmem:v41+s1+$0x0], $0xffff;
	[tilespmem:s0+$0xFFFFFFA0] =	vst v28  }
0x92: {  	v34 =	vld.idx.msk [tilespmem:v34+s1+$0x0], $0xffff;
	[tilespmem:s0+$0xFFFFFFB0] =	vst v29  }
0x93: {  	[tilespmem:s0+$0xFFFFFFC0] =	vst v30;
	v26 =	vld.idx.msk [tilespmem:v35+s1+$0x0], $0xffff  }
0x94: {  	[tilespmem:s0+$0xFFFFFFD0] =	vst v31;
	v27 =	vld.idx.msk [tilespmem:v36+s1+$0x0], $0xffff  }
0x95: {  	[tilespmem:s0+$0xFFFFFFE0] =	vst v32;
	v28 =	vld.idx.msk [tilespmem:v37+s1+$0x0], $0xffff  }
0x96: {  	[tilespmem:s0+$0xFFFFFFF0] =	vst v33;
	v29 =	vld.idx.msk [tilespmem:v38+s1+$0x0], $0xffff  }
0x97: {  	s2 =	simm.s32 $0x0;
	[tilespmem:s0+$0xFFFFFF80] =	vst v41;
	v30 =	vld.idx.msk [tilespmem:v39+s1+$0x0], $0xffff  }
0x98: {  	s3 =	simm.s32 $0x18B00;
	s4 =	simm.s32 $0x1A300;
	s18 =	simm.s32 $0x18C80;
	[tilespmem:s0+$0x0] =	vst v34;
	v31 =	vld.idx.msk [tilespmem:v40+s1+$0x0], $0xffff  }
.LBB2_8:
0x99: {  	v32 =	vld [tilespmem:s18+$0x70];
	s2 =	sadd.s32 $0x10, s2;
	[tilespmem:s0+$0x10] =	vst v26  }
0x9a: {  	v26 =	vld [tilespmem:s18+$0xFFFFFF90];
	p0 =	slt.u32 s2, $0x180;
	[tilespmem:s0+$0x20] =	vst v27  }
0x9b: {  	v27 =	vld [tilespmem:s18+$0xFFFFFFA0];
	[tilespmem:s0+$0x30] =	vst v28  }
0x9c: {  	v28 =	vld [tilespmem:s18+$0xFFFFFFB0];
	[tilespmem:s0+$0x40] =	vst v29  }
0x9d: {  	v29 =	vld [tilespmem:s18+$0xFFFFFFC0];
	[tilespmem:s0+$0x50] =	vst v30  }
0x9e: {  	v30 =	vld [tilespmem:s18+$0xFFFFFFD0];
	[tilespmem:s0+$0x60] =	vst v31  }
0x9f: {  	v31 =	vld [tilespmem:s18+$0xFFFFFFE0]  }
0xa0: {  	v33 =	vld [tilespmem:s18+$0xFFFFFFF0]  }
0xa1: {  	v32 =	vld.idx.msk [tilespmem:v32+s1+$0x0], $0xffff  }
0xa2: {  	v34 =	vld [tilespmem:s18+$0x0]  }
0xa3: {  	v35 =	vld [tilespmem:s18+$0x10]  }
0xa4: {  	v36 =	vld [tilespmem:s18+$0x20]  }
0xa5: {  	v37 =	vld [tilespmem:s18+$0x30]  }
0xa6: {  	s0 =	sadd.s32 $0x100, s0;
	v38 =	vld [tilespmem:s18+$0x40]  }
0xa7: {  	v39 =	vld [tilespmem:s18+$0x50];
	[tilespmem:s0+$0x70] =	vst v32  }
0xa8: {  	v32 =	vld [tilespmem:s18+$0x60]  }
0xa9: {  	v40 =	vld [tilespmem:s18+$0xFFFFFF80]  }
0xaa: {  	v26 =	vld.idx.msk [tilespmem:v26+s1+$0x0], $0xffff  }
0xab: {  	v27 =	vld.idx.msk [tilespmem:v27+s1+$0x0], $0xffff  }
0xac: {  	v28 =	vld.idx.msk [tilespmem:v28+s1+$0x0], $0xffff  }
0xad: {  	v29 =	vld.idx.msk [tilespmem:v29+s1+$0x0], $0xffff  }
0xae: {  	v30 =	vld.idx.msk [tilespmem:v30+s1+$0x0], $0xffff  }
0xaf: {  	v31 =	vld.idx.msk [tilespmem:v31+s1+$0x0], $0xffff  }
0xb0: {  	[tilespmem:s0+$0xFFFFFF90] =	vst v26;
	v33 =	vld.idx.msk [tilespmem:v33+s1+$0x0], $0xffff  }
0xb1: {  	v40 =	vld.idx.msk [tilespmem:v40+s1+$0x0], $0xffff;
	[tilespmem:s0+$0xFFFFFFA0] =	vst v27  }
0xb2: {  	[tilespmem:s0+$0xFFFFFFB0] =	vst v28;
	v34 =	vld.idx.msk [tilespmem:v34+s1+$0x0], $0xffff  }
0xb3: {  	[tilespmem:s0+$0xFFFFFFC0] =	vst v29;
	v26 =	vld.idx.msk [tilespmem:v35+s1+$0x0], $0xffff  }
.Ltmp3:
0xb4: {  	[tilespmem:s0+$0xFFFFFFD0] =	vst v30;
	v27 =	vld.idx.msk [tilespmem:v36+s1+$0x0], $0xffff;
	(pc) =	sbr.rel @p0 .LBB2_8-.Ltmp3, $4  }
0xb5: {  	[tilespmem:s0+$0xFFFFFFE0] =	vst v31;
	v28 =	vld.idx.msk [tilespmem:v37+s1+$0x0], $0xffff  }
0xb6: {  	[tilespmem:s0+$0xFFFFFFF0] =	vst v33;
	v29 =	vld.idx.msk [tilespmem:v38+s1+$0x0], $0xffff  }
0xb7: {  	[tilespmem:s0+$0xFFFFFF80] =	vst v40;
	v30 =	vld.idx.msk [tilespmem:v39+s1+$0x0], $0xffff  }
0xb8: {  	s18 =	sadd.s32 $0x100, s18;
	[tilespmem:s0+$0x0] =	vst v34;
	v31 =	vld.idx.msk [tilespmem:v32+s1+$0x0], $0xffff  }
0xb9: {  	[tilespmem:s0+$0x10] =	vst v26  }
0xba: {  	[tilespmem:s0+$0x20] =	vst v27  }
0xbb: {  	[tilespmem:s0+$0x30] =	vst v28  }
0xbc: {  	[tilespmem:s0+$0x40] =	vst v29  }
0xbd: {  	[tilespmem:s0+$0x50] =	vst v30  }
0xbe: {  	[tilespmem:s0+$0x60] =	vst v31  }
0xbf: {  	[hbm4b:s7+s14] =	stream.strided.scatter [tilespmem:s23], [sflag:$0x3], $0x1800, s15, s14, $0x38;
	[tilespmem:$0x1FB00] =	vst v63  }
0xc0: {  	s16 =	sadd.s32 $0x18000, s7  }
0xc1: {  	[hbm4b:s16+s1] =	stream.linear.scatter [tilespmem:s24], [sflag:$0x3], $0x100, $0x38;
	[tilespmem:$0x1FB00] =	vst v63  }
0xc2: {  	_ =	swait.ge [sflag:s25], $0x1900  }
0xc3: {  	[sflag:s25] =	ssyncset.done $0x0  }
0xc4: {  	[sflag:s25] =	ssyncadd.s32 $0xFFFFE700  }
0xc5: {  	[tilespmem:s3], [sflag:$0x1] =	stream.strided.gather [hbm4b:s8+s14], $0x1800, s15, s14, $0x38;
	[tilespmem:$0x1FB00] =	vst v63  }
0xc6: {  	s17 =	sadd.s32 $0x18000, s8;
	s18 =	simm.s32 $0x1A780  }
0xc7: {  	[tilespmem:s4], [sflag:$0x1] =	stream.linear.gather [hbm4b:s17+s1], $0x100, $0x38;
	[tilespmem:$0x1FB00] =	vst v63  }
0xc8: {  	v26 =	vld [tilespmem:s18+$0x70]  }
0xc9: {  	v27 =	vld [tilespmem:s18+$0xFFFFFF90]  }
0xca: {  	v28 =	vld [tilespmem:s18+$0xFFFFFFA0]  }
0xcb: {  	v29 =	vld [tilespmem:s18+$0xFFFFFFB0]  }
0xcc: {  	v30 =	vld [tilespmem:s18+$0xFFFFFFC0]  }
0xcd: {  	v31 =	vld [tilespmem:s18+$0xFFFFFFD0]  }
0xce: {  	v32 =	vld [tilespmem:s18+$0xFFFFFFE0]  }
0xcf: {  	v33 =	vld [tilespmem:s18+$0xFFFFFFF0]  }
0xd0: {  	v34 =	vld [tilespmem:s18+$0x0]  }
0xd1: {  	v35 =	vld [tilespmem:s18+$0x10]  }
0xd2: {  	v36 =	vld [tilespmem:s18+$0x20]  }
0xd3: {  	v37 =	vld [tilespmem:s18+$0x30]  }
0xd4: {  	v38 =	vld [tilespmem:s18+$0x40]  }
0xd5: {  	v39 =	vld [tilespmem:s18+$0x50]  }
0xd6: {  	v40 =	vld [tilespmem:s18+$0x60]  }
0xd7: {  	v41 =	vld [tilespmem:s18+$0xFFFFFF80]  }
0xd8: {  	v26 =	vld.idx.msk [tilespmem:v26+s1+$0x0], $0xffff  }
0xd9: {  	v27 =	vld.idx.msk [tilespmem:v27+s1+$0x0], $0xffff  }
0xda: {  	v28 =	vld.idx.msk [tilespmem:v28+s1+$0x0], $0xffff  }
0xdb: {  	v29 =	vld.idx.msk [tilespmem:v29+s1+$0x0], $0xffff  }
0xdc: {  	v30 =	vld.idx.msk [tilespmem:v30+s1+$0x0], $0xffff  }
0xdd: {  	s0 =	simm.s32 $0x1DF80;
	v31 =	vld.idx.msk [tilespmem:v31+s1+$0x0], $0xffff  }
0xde: {  	v32 =	vld.idx.msk [tilespmem:v32+s1+$0x0], $0xffff;
	[tilespmem:s0+$0x70] =	vst v26  }
0xdf: {  	v33 =	vld.idx.msk [tilespmem:v33+s1+$0x0], $0xffff;
	[tilespmem:s0+$0xFFFFFF90] =	vst v27  }
0xe0: {  	v41 =	vld.idx.msk [tilespmem:v41+s1+$0x0], $0xffff;
	[tilespmem:s0+$0xFFFFFFA0] =	vst v28  }
0xe1: {  	v34 =	vld.idx.msk [tilespmem:v34+s1+$0x0], $0xffff;
	[tilespmem:s0+$0xFFFFFFB0] =	vst v29  }
0xe2: {  	[tilespmem:s0+$0xFFFFFFC0] =	vst v30;
	v26 =	vld.idx.msk [tilespmem:v35+s1+$0x0], $0xffff  }
0xe3: {  	[tilespmem:s0+$0xFFFFFFD0] =	vst v31;
	v27 =	vld.idx.msk [tilespmem:v36+s1+$0x0], $0xffff  }
0xe4: {  	[tilespmem:s0+$0xFFFFFFE0] =	vst v32;
	v28 =	vld.idx.msk [tilespmem:v37+s1+$0x0], $0xffff  }
0xe5: {  	[tilespmem:s0+$0xFFFFFFF0] =	vst v33;
	v29 =	vld.idx.msk [tilespmem:v38+s1+$0x0], $0xffff  }
0xe6: {  	[tilespmem:s0+$0xFFFFFF80] =	vst v41;
	v30 =	vld.idx.msk [tilespmem:v39+s1+$0x0], $0xffff  }
0xe7: {  	s2 =	simm.s32 $0x0;
	s18 =	simm.s32 $0x1A880;
	[tilespmem:s0+$0x0] =	vst v34;
	v31 =	vld.idx.msk [tilespmem:v40+s1+$0x0], $0xffff  }
.LBB2_10:
0xe8: {  	v32 =	vld [tilespmem:s18+$0x70];
	s2 =	sadd.s32 $0x10, s2;
	[tilespmem:s0+$0x10] =	vst v26  }
0xe9: {  	v26 =	vld [tilespmem:s18+$0xFFFFFF90];
	p0 =	slt.u32 s2, $0x180;
	[tilespmem:s0+$0x20] =	vst v27  }
0xea: {  	v27 =	vld [tilespmem:s18+$0xFFFFFFA0];
	[tilespmem:s0+$0x30] =	vst v28  }
0xeb: {  	v28 =	vld [tilespmem:s18+$0xFFFFFFB0];
	[tilespmem:s0+$0x40] =	vst v29  }
0xec: {  	v29 =	vld [tilespmem:s18+$0xFFFFFFC0];
	[tilespmem:s0+$0x50] =	vst v30  }
0xed: {  	v30 =	vld [tilespmem:s18+$0xFFFFFFD0];
	[tilespmem:s0+$0x60] =	vst v31  }
0xee: {  	v31 =	vld [tilespmem:s18+$0xFFFFFFE0]  }
0xef: {  	v33 =	vld [tilespmem:s18+$0xFFFFFFF0]  }
0xf0: {  	v32 =	vld.idx.msk [tilespmem:v32+s1+$0x0], $0xffff  }
0xf1: {  	v34 =	vld [tilespmem:s18+$0x0]  }
0xf2: {  	v35 =	vld [tilespmem:s18+$0x10]  }
0xf3: {  	v36 =	vld [tilespmem:s18+$0x20]  }
0xf4: {  	v37 =	vld [tilespmem:s18+$0x30]  }
0xf5: {  	s0 =	sadd.s32 $0x100, s0;
	v38 =	vld [tilespmem:s18+$0x40]  }
0xf6: {  	v39 =	vld [tilespmem:s18+$0x50];
	[tilespmem:s0+$0x70] =	vst v32  }
0xf7: {  	v32 =	vld [tilespmem:s18+$0x60]  }
0xf8: {  	v40 =	vld [tilespmem:s18+$0xFFFFFF80]  }
0xf9: {  	v26 =	vld.idx.msk [tilespmem:v26+s1+$0x0], $0xffff  }
0xfa: {  	v27 =	vld.idx.msk [tilespmem:v27+s1+$0x0], $0xffff  }
0xfb: {  	v28 =	vld.idx.msk [tilespmem:v28+s1+$0x0], $0xffff  }
0xfc: {  	v29 =	vld.idx.msk [tilespmem:v29+s1+$0x0], $0xffff  }
0xfd: {  	v30 =	vld.idx.msk [tilespmem:v30+s1+$0x0], $0xffff  }
0xfe: {  	v31 =	vld.idx.msk [tilespmem:v31+s1+$0x0], $0xffff  }
0xff: {  	[tilespmem:s0+$0xFFFFFF90] =	vst v26;
	v33 =	vld.idx.msk [tilespmem:v33+s1+$0x0], $0xffff  }
0x100: {  	v40 =	vld.idx.msk [tilespmem:v40+s1+$0x0], $0xffff;
	[tilespmem:s0+$0xFFFFFFA0] =	vst v27  }
0x101: {  	[tilespmem:s0+$0xFFFFFFB0] =	vst v28;
	v34 =	vld.idx.msk [tilespmem:v34+s1+$0x0], $0xffff  }
0x102: {  	[tilespmem:s0+$0xFFFFFFC0] =	vst v29;
	v26 =	vld.idx.msk [tilespmem:v35+s1+$0x0], $0xffff  }
.Ltmp4:
0x103: {  	[tilespmem:s0+$0xFFFFFFD0] =	vst v30;
	v27 =	vld.idx.msk [tilespmem:v36+s1+$0x0], $0xffff;
	(pc) =	sbr.rel @p0 .LBB2_10-.Ltmp4, $4  }
0x104: {  	[tilespmem:s0+$0xFFFFFFE0] =	vst v31;
	v28 =	vld.idx.msk [tilespmem:v37+s1+$0x0], $0xffff  }
0x105: {  	[tilespmem:s0+$0xFFFFFFF0] =	vst v33;
	v29 =	vld.idx.msk [tilespmem:v38+s1+$0x0], $0xffff  }
0x106: {  	[tilespmem:s0+$0xFFFFFF80] =	vst v40;
	v30 =	vld.idx.msk [tilespmem:v39+s1+$0x0], $0xffff  }
0x107: {  	s18 =	sadd.s32 $0x100, s18;
	[tilespmem:s0+$0x0] =	vst v34;
	v31 =	vld.idx.msk [tilespmem:v32+s1+$0x0], $0xffff  }
0x108: {  	[tilespmem:s0+$0x10] =	vst v26  }
0x109: {  	[tilespmem:s0+$0x20] =	vst v27  }
0x10a: {  	[tilespmem:s0+$0x30] =	vst v28  }
0x10b: {  	[tilespmem:s0+$0x40] =	vst v29  }
0x10c: {  	[tilespmem:s0+$0x50] =	vst v30  }
0x10d: {  	[tilespmem:s0+$0x60] =	vst v31  }
0x10e: {  	[hbm4b:s9+s14] =	stream.strided.scatter [tilespmem:s26], [sflag:$0x4], $0x1800, s15, s14, $0x38;
	[tilespmem:$0x1FB00] =	vst v63  }
0x10f: {  	s16 =	sadd.s32 $0x18000, s9  }
0x110: {  	[hbm4b:s16+s1] =	stream.linear.scatter [tilespmem:s28], [sflag:$0x4], $0x100, $0x38;
	[tilespmem:$0x1FB00] =	vst v63  }
0x111: {  	_ =	swait.ge [sflag:s20], $0x1900  }
0x112: {  	[sflag:s20] =	ssyncset.done $0x0  }
0x113: {  	[sflag:s20] =	ssyncadd.s32 $0xFFFFE700  }
0x114: {  	[tilespmem:s21], [sflag:$0x2] =	stream.strided.gather [hbm4b:s10+s14], $0x1800, s15, s14, $0x38;
	[tilespmem:$0x1FB00] =	vst v63  }
0x115: {  	s17 =	sadd.s32 $0x18000, s10  }
0x116: {  	[tilespmem:s22], [sflag:$0x2] =	stream.linear.gather [hbm4b:s17+s1], $0x100, $0x38;
	[tilespmem:$0x1FB00] =	vst v63  }
0x117: {  	_ =	swait.ge [sflag:s29], $0x1900  }
0x118: {  	[sflag:s29] =	ssyncset.done $0x0  }
0x119: {  	s18 =	simm.s32 $0x18B80;
	[sflag:s29] =	ssyncadd.s32 $0xFFFFE700  }
0x11a: {  	v26 =	vld [tilespmem:s18+$0x70]  }
0x11b: {  	v27 =	vld [tilespmem:s18+$0xFFFFFF90]  }
0x11c: {  	v28 =	vld [tilespmem:s18+$0xFFFFFFA0]  }
0x11d: {  	v29 =	vld [tilespmem:s18+$0xFFFFFFB0]  }
0x11e: {  	v30 =	vld [tilespmem:s18+$0xFFFFFFC0]  }
0x11f: {  	v31 =	vld [tilespmem:s18+$0xFFFFFFD0]  }
0x120: {  	v32 =	vld [tilespmem:s18+$0xFFFFFFE0]  }
0x121: {  	v33 =	vld [tilespmem:s18+$0xFFFFFFF0]  }
0x122: {  	v34 =	vld [tilespmem:s18+$0x0]  }
0x123: {  	v35 =	vld [tilespmem:s18+$0x10]  }
0x124: {  	v36 =	vld [tilespmem:s18+$0x20]  }
0x125: {  	v37 =	vld [tilespmem:s18+$0x30]  }
0x126: {  	v38 =	vld [tilespmem:s18+$0x40]  }
0x127: {  	v39 =	vld [tilespmem:s18+$0x50]  }
0x128: {  	v40 =	vld [tilespmem:s18+$0x60]  }
0x129: {  	v41 =	vld [tilespmem:s18+$0xFFFFFF80]  }
0x12a: {  	v26 =	vld.idx.msk [tilespmem:v26+s1+$0x0], $0xffff  }
0x12b: {  	v27 =	vld.idx.msk [tilespmem:v27+s1+$0x0], $0xffff  }
0x12c: {  	v28 =	vld.idx.msk [tilespmem:v28+s1+$0x0], $0xffff  }
0x12d: {  	v29 =	vld.idx.msk [tilespmem:v29+s1+$0x0], $0xffff  }
0x12e: {  	v30 =	vld.idx.msk [tilespmem:v30+s1+$0x0], $0xffff  }
0x12f: {  	s0 =	simm.s32 $0x1C380;
	v31 =	vld.idx.msk [tilespmem:v31+s1+$0x0], $0xffff  }
0x130: {  	v32 =	vld.idx.msk [tilespmem:v32+s1+$0x0], $0xffff;
	[tilespmem:s0+$0x70] =	vst v26  }
0x131: {  	v33 =	vld.idx.msk [tilespmem:v33+s1+$0x0], $0xffff;
	[tilespmem:s0+$0xFFFFFF90] =	vst v27  }
0x132: {  	v41 =	vld.idx.msk [tilespmem:v41+s1+$0x0], $0xffff;
	[tilespmem:s0+$0xFFFFFFA0] =	vst v28  }
0x133: {  	v34 =	vld.idx.msk [tilespmem:v34+s1+$0x0], $0xffff;
	[tilespmem:s0+$0xFFFFFFB0] =	vst v29  }
0x134: {  	[tilespmem:s0+$0xFFFFFFC0] =	vst v30;
	v26 =	vld.idx.msk [tilespmem:v35+s1+$0x0], $0xffff  }
0x135: {  	[tilespmem:s0+$0xFFFFFFD0] =	vst v31;
	v27 =	vld.idx.msk [tilespmem:v36+s1+$0x0], $0xffff  }
0x136: {  	[tilespmem:s0+$0xFFFFFFE0] =	vst v32;
	v28 =	vld.idx.msk [tilespmem:v37+s1+$0x0], $0xffff  }
0x137: {  	[tilespmem:s0+$0xFFFFFFF0] =	vst v33;
	v29 =	vld.idx.msk [tilespmem:v38+s1+$0x0], $0xffff  }
0x138: {  	[tilespmem:s0+$0xFFFFFF80] =	vst v41;
	v30 =	vld.idx.msk [tilespmem:v39+s1+$0x0], $0xffff  }
0x139: {  	s2 =	simm.s32 $0x0;
	s18 =	simm.s32 $0x18C80;
	[tilespmem:s0+$0x0] =	vst v34;
	v31 =	vld.idx.msk [tilespmem:v40+s1+$0x0], $0xffff  }
.LBB2_12:
0x13a: {  	v32 =	vld [tilespmem:s18+$0x70];
	s2 =	sadd.s32 $0x10, s2;
	[tilespmem:s0+$0x10] =	vst v26  }
0x13b: {  	v26 =	vld [tilespmem:s18+$0xFFFFFF90];
	p0 =	slt.u32 s2, $0x180;
	[tilespmem:s0+$0x20] =	vst v27  }
0x13c: {  	v27 =	vld [tilespmem:s18+$0xFFFFFFA0];
	[tilespmem:s0+$0x30] =	vst v28  }
0x13d: {  	v28 =	vld [tilespmem:s18+$0xFFFFFFB0];
	[tilespmem:s0+$0x40] =	vst v29  }
0x13e: {  	v29 =	vld [tilespmem:s18+$0xFFFFFFC0];
	[tilespmem:s0+$0x50] =	vst v30  }
0x13f: {  	v30 =	vld [tilespmem:s18+$0xFFFFFFD0];
	[tilespmem:s0+$0x60] =	vst v31  }
0x140: {  	v31 =	vld [tilespmem:s18+$0xFFFFFFE0]  }
0x141: {  	v33 =	vld [tilespmem:s18+$0xFFFFFFF0]  }
0x142: {  	v32 =	vld.idx.msk [tilespmem:v32+s1+$0x0], $0xffff  }
0x143: {  	v34 =	vld [tilespmem:s18+$0x0]  }
0x144: {  	v35 =	vld [tilespmem:s18+$0x10]  }
0x145: {  	v36 =	vld [tilespmem:s18+$0x20]  }
0x146: {  	v37 =	vld [tilespmem:s18+$0x30]  }
0x147: {  	s0 =	sadd.s32 $0x100, s0;
	v38 =	vld [tilespmem:s18+$0x40]  }
0x148: {  	v39 =	vld [tilespmem:s18+$0x50];
	[tilespmem:s0+$0x70] =	vst v32  }
0x149: {  	v32 =	vld [tilespmem:s18+$0x60]  }
0x14a: {  	v40 =	vld [tilespmem:s18+$0xFFFFFF80]  }
0x14b: {  	v26 =	vld.idx.msk [tilespmem:v26+s1+$0x0], $0xffff  }
0x14c: {  	v27 =	vld.idx.msk [tilespmem:v27+s1+$0x0], $0xffff  }
0x14d: {  	v28 =	vld.idx.msk [tilespmem:v28+s1+$0x0], $0xffff  }
0x14e: {  	v29 =	vld.idx.msk [tilespmem:v29+s1+$0x0], $0xffff  }
0x14f: {  	v30 =	vld.idx.msk [tilespmem:v30+s1+$0x0], $0xffff  }
0x150: {  	v31 =	vld.idx.msk [tilespmem:v31+s1+$0x0], $0xffff  }
0x151: {  	[tilespmem:s0+$0xFFFFFF90] =	vst v26;
	v33 =	vld.idx.msk [tilespmem:v33+s1+$0x0], $0xffff  }
0x152: {  	v40 =	vld.idx.msk [tilespmem:v40+s1+$0x0], $0xffff;
	[tilespmem:s0+$0xFFFFFFA0] =	vst v27  }
0x153: {  	[tilespmem:s0+$0xFFFFFFB0] =	vst v28;
	v34 =	vld.idx.msk [tilespmem:v34+s1+$0x0], $0xffff  }
0x154: {  	[tilespmem:s0+$0xFFFFFFC0] =	vst v29;
	v26 =	vld.idx.msk [tilespmem:v35+s1+$0x0], $0xffff  }
.Ltmp5:
0x155: {  	[tilespmem:s0+$0xFFFFFFD0] =	vst v30;
	v27 =	vld.idx.msk [tilespmem:v36+s1+$0x0], $0xffff;
	(pc) =	sbr.rel @p0 .LBB2_12-.Ltmp5, $4  }
0x156: {  	[tilespmem:s0+$0xFFFFFFE0] =	vst v31;
	v28 =	vld.idx.msk [tilespmem:v37+s1+$0x0], $0xffff  }
0x157: {  	[tilespmem:s0+$0xFFFFFFF0] =	vst v33;
	v29 =	vld.idx.msk [tilespmem:v38+s1+$0x0], $0xffff  }
0x158: {  	[tilespmem:s0+$0xFFFFFF80] =	vst v40;
	v30 =	vld.idx.msk [tilespmem:v39+s1+$0x0], $0xffff  }
0x159: {  	s18 =	sadd.s32 $0x100, s18;
	[tilespmem:s0+$0x0] =	vst v34;
	v31 =	vld.idx.msk [tilespmem:v32+s1+$0x0], $0xffff  }
0x15a: {  	[tilespmem:s0+$0x10] =	vst v26  }
0x15b: {  	[tilespmem:s0+$0x20] =	vst v27  }
0x15c: {  	[tilespmem:s0+$0x30] =	vst v28  }
0x15d: {  	[tilespmem:s0+$0x40] =	vst v29  }
0x15e: {  	[tilespmem:s0+$0x50] =	vst v30  }
0x15f: {  	[tilespmem:s0+$0x60] =	vst v31  }
0x160: {  	[hbm4b:s11+s14] =	stream.strided.scatter [tilespmem:s23], [sflag:$0x3], $0x1800, s15, s14, $0x38;
	[tilespmem:$0x1FB00] =	vst v63  }
0x161: {  	s17 =	sadd.s32 $0x18000, s11  }
0x162: {  	[hbm4b:s17+s1] =	stream.linear.scatter [tilespmem:s24], [sflag:$0x3], $0x100, $0x38;
	[tilespmem:$0x1FB00] =	vst v63  }
0x163: {  	_ =	swait.ge [sflag:s25], $0x1900  }
0x164: {  	[sflag:s25] =	ssyncset.done $0x0  }
0x165: {  	[sflag:s25] =	ssyncadd.s32 $0xFFFFE700  }
0x166: {  	_ =	swait.ge [sflag:s30], $0x1900  }
0x167: {  	[sflag:s30] =	ssyncset.done $0x0  }
0x168: {  	s18 =	simm.s32 $0x1A780;
	[sflag:s30] =	ssyncadd.s32 $0xFFFFE700  }
0x169: {  	v26 =	vld [tilespmem:s18+$0x70]  }
0x16a: {  	v27 =	vld [tilespmem:s18+$0xFFFFFF90]  }
0x16b: {  	v28 =	vld [tilespmem:s18+$0xFFFFFFA0]  }
0x16c: {  	v29 =	vld [tilespmem:s18+$0xFFFFFFB0]  }
0x16d: {  	v30 =	vld [tilespmem:s18+$0xFFFFFFC0]  }
0x16e: {  	v31 =	vld [tilespmem:s18+$0xFFFFFFD0]  }
0x16f: {  	v32 =	vld [tilespmem:s18+$0xFFFFFFE0]  }
0x170: {  	v33 =	vld [tilespmem:s18+$0xFFFFFFF0]  }
0x171: {  	v34 =	vld [tilespmem:s18+$0x0]  }
0x172: {  	v35 =	vld [tilespmem:s18+$0x10]  }
0x173: {  	v36 =	vld [tilespmem:s18+$0x20]  }
0x174: {  	v37 =	vld [tilespmem:s18+$0x30]  }
0x175: {  	v38 =	vld [tilespmem:s18+$0x40]  }
0x176: {  	v39 =	vld [tilespmem:s18+$0x50]  }
0x177: {  	v40 =	vld [tilespmem:s18+$0x60]  }
0x178: {  	v41 =	vld [tilespmem:s18+$0xFFFFFF80]  }
0x179: {  	v26 =	vld.idx.msk [tilespmem:v26+s1+$0x0], $0xffff  }
0x17a: {  	v27 =	vld.idx.msk [tilespmem:v27+s1+$0x0], $0xffff  }
0x17b: {  	v28 =	vld.idx.msk [tilespmem:v28+s1+$0x0], $0xffff  }
0x17c: {  	v29 =	vld.idx.msk [tilespmem:v29+s1+$0x0], $0xffff  }
0x17d: {  	v30 =	vld.idx.msk [tilespmem:v30+s1+$0x0], $0xffff  }
0x17e: {  	s0 =	simm.s32 $0x1DF80;
	v31 =	vld.idx.msk [tilespmem:v31+s1+$0x0], $0xffff  }
0x17f: {  	v32 =	vld.idx.msk [tilespmem:v32+s1+$0x0], $0xffff;
	[tilespmem:s0+$0x70] =	vst v26  }
0x180: {  	v33 =	vld.idx.msk [tilespmem:v33+s1+$0x0], $0xffff;
	[tilespmem:s0+$0xFFFFFF90] =	vst v27  }
0x181: {  	v41 =	vld.idx.msk [tilespmem:v41+s1+$0x0], $0xffff;
	[tilespmem:s0+$0xFFFFFFA0] =	vst v28  }
0x182: {  	v34 =	vld.idx.msk [tilespmem:v34+s1+$0x0], $0xffff;
	[tilespmem:s0+$0xFFFFFFB0] =	vst v29  }
0x183: {  	[tilespmem:s0+$0xFFFFFFC0] =	vst v30;
	v26 =	vld.idx.msk [tilespmem:v35+s1+$0x0], $0xffff  }
0x184: {  	[tilespmem:s0+$0xFFFFFFD0] =	vst v31;
	v27 =	vld.idx.msk [tilespmem:v36+s1+$0x0], $0xffff  }
0x185: {  	[tilespmem:s0+$0xFFFFFFE0] =	vst v32;
	v28 =	vld.idx.msk [tilespmem:v37+s1+$0x0], $0xffff  }
0x186: {  	[tilespmem:s0+$0xFFFFFFF0] =	vst v33;
	v29 =	vld.idx.msk [tilespmem:v38+s1+$0x0], $0xffff  }
0x187: {  	[tilespmem:s0+$0xFFFFFF80] =	vst v41;
	v30 =	vld.idx.msk [tilespmem:v39+s1+$0x0], $0xffff  }
0x188: {  	s2 =	simm.s32 $0x0;
	s18 =	simm.s32 $0x1A880;
	[tilespmem:s0+$0x0] =	vst v34;
	v31 =	vld.idx.msk [tilespmem:v40+s1+$0x0], $0xffff  }
.LBB2_14:
0x189: {  	v32 =	vld [tilespmem:s18+$0x70];
	s2 =	sadd.s32 $0x10, s2;
	[tilespmem:s0+$0x10] =	vst v26  }
0x18a: {  	v26 =	vld [tilespmem:s18+$0xFFFFFF90];
	p0 =	slt.u32 s2, $0x180;
	[tilespmem:s0+$0x20] =	vst v27  }
0x18b: {  	v27 =	vld [tilespmem:s18+$0xFFFFFFA0];
	[tilespmem:s0+$0x30] =	vst v28  }
0x18c: {  	v28 =	vld [tilespmem:s18+$0xFFFFFFB0];
	[tilespmem:s0+$0x40] =	vst v29  }
0x18d: {  	v29 =	vld [tilespmem:s18+$0xFFFFFFC0];
	[tilespmem:s0+$0x50] =	vst v30  }
0x18e: {  	v30 =	vld [tilespmem:s18+$0xFFFFFFD0];
	[tilespmem:s0+$0x60] =	vst v31  }
0x18f: {  	v31 =	vld [tilespmem:s18+$0xFFFFFFE0]  }
0x190: {  	v33 =	vld [tilespmem:s18+$0xFFFFFFF0]  }
0x191: {  	v32 =	vld.idx.msk [tilespmem:v32+s1+$0x0], $0xffff  }
0x192: {  	v34 =	vld [tilespmem:s18+$0x0]  }
0x193: {  	v35 =	vld [tilespmem:s18+$0x10]  }
0x194: {  	v36 =	vld [tilespmem:s18+$0x20]  }
0x195: {  	v37 =	vld [tilespmem:s18+$0x30]  }
0x196: {  	s0 =	sadd.s32 $0x100, s0;
	v38 =	vld [tilespmem:s18+$0x40]  }
0x197: {  	v39 =	vld [tilespmem:s18+$0x50];
	[tilespmem:s0+$0x70] =	vst v32  }
0x198: {  	v32 =	vld [tilespmem:s18+$0x60]  }
0x199: {  	v40 =	vld [tilespmem:s18+$0xFFFFFF80]  }
0x19a: {  	v26 =	vld.idx.msk [tilespmem:v26+s1+$0x0], $0xffff  }
0x19b: {  	v27 =	vld.idx.msk [tilespmem:v27+s1+$0x0], $0xffff  }
0x19c: {  	v28 =	vld.idx.msk [tilespmem:v28+s1+$0x0], $0xffff  }
0x19d: {  	v29 =	vld.idx.msk [tilespmem:v29+s1+$0x0], $0xffff  }
0x19e: {  	v30 =	vld.idx.msk [tilespmem:v30+s1+$0x0], $0xffff  }
0x19f: {  	v31 =	vld.idx.msk [tilespmem:v31+s1+$0x0], $0xffff  }
0x1a0: {  	[tilespmem:s0+$0xFFFFFF90] =	vst v26;
	v33 =	vld.idx.msk [tilespmem:v33+s1+$0x0], $0xffff  }
0x1a1: {  	v40 =	vld.idx.msk [tilespmem:v40+s1+$0x0], $0xffff;
	[tilespmem:s0+$0xFFFFFFA0] =	vst v27  }
0x1a2: {  	[tilespmem:s0+$0xFFFFFFB0] =	vst v28;
	v34 =	vld.idx.msk [tilespmem:v34+s1+$0x0], $0xffff  }
0x1a3: {  	[tilespmem:s0+$0xFFFFFFC0] =	vst v29;
	v26 =	vld.idx.msk [tilespmem:v35+s1+$0x0], $0xffff  }
.Ltmp6:
0x1a4: {  	[tilespmem:s0+$0xFFFFFFD0] =	vst v30;
	v27 =	vld.idx.msk [tilespmem:v36+s1+$0x0], $0xffff;
	(pc) =	sbr.rel @p0 .LBB2_14-.Ltmp6, $4  }
0x1a5: {  	[tilespmem:s0+$0xFFFFFFE0] =	vst v31;
	v28 =	vld.idx.msk [tilespmem:v37+s1+$0x0], $0xffff  }
0x1a6: {  	[tilespmem:s0+$0xFFFFFFF0] =	vst v33;
	v29 =	vld.idx.msk [tilespmem:v38+s1+$0x0], $0xffff  }
0x1a7: {  	[tilespmem:s0+$0xFFFFFF80] =	vst v40;
	v30 =	vld.idx.msk [tilespmem:v39+s1+$0x0], $0xffff  }
0x1a8: {  	s18 =	sadd.s32 $0x100, s18;
	[tilespmem:s0+$0x0] =	vst v34;
	v31 =	vld.idx.msk [tilespmem:v32+s1+$0x0], $0xffff  }
0x1a9: {  	[tilespmem:s0+$0x10] =	vst v26  }
0x1aa: {  	[tilespmem:s0+$0x20] =	vst v27  }
0x1ab: {  	[tilespmem:s0+$0x30] =	vst v28  }
0x1ac: {  	[tilespmem:s0+$0x40] =	vst v29  }
0x1ad: {  	[tilespmem:s0+$0x50] =	vst v30  }
0x1ae: {  	[tilespmem:s0+$0x60] =	vst v31  }
0x1af: {  	[hbm4b:s12+s14] =	stream.strided.scatter [tilespmem:s26], [sflag:$0x4], $0x1800, s15, s14, $0x38;
	[tilespmem:$0x1FB00] =	vst v63  }
0x1b0: {  	s17 =	sadd.s32 $0x18000, s12  }
0x1b1: {  	[hbm4b:s17+s1] =	stream.linear.scatter [tilespmem:s28], [sflag:$0x4], $0x100, $0x38;
	[tilespmem:$0x1FB00] =	vst v63  }
0x1b2: {  	_ =	swait.ge [sflag:s29], $0x1900  }
0x1b3: {  	[sflag:s29] =	ssyncset.done $0x0  }
0x1b4: {  	[sflag:s29] =	ssyncadd.s32 $0xFFFFE700  }
0x1b5: {  	_ =	swait.ge [sflag:s30], $0x1900  }
0x1b6: {  	s31 =	sadd.s32 $0x1, s31;
	s18 =	rddreg [dreg:$0x6]  }
0x1b7: {  	p0 =	sne.s32 s31, s18  }
.Ltmp7:
0x1b8: {  	_ = 	snop;
	(pc) =	sbr.rel @p0 .LBB2_1-.Ltmp7, $3  }
0x1b9: {  	_ =	sdelay $0x1  }
0x1ba: {  	[sflag:s30] =	ssyncset.done $0x0  }
0x1bb: {  	[sflag:s30] =	ssyncadd.s32 $0xFFFFE700  }
0x1bc: {  	_ =	sfence.sel $0x180000  }
0x1bd: {  	[bflag:$0x0] =	sbarrier.arrive $0xFFFF  }
0x1be: {  	_ =	strace $0x90000047  }
0x1bf: {  	s0 =	stileid.u32;
	[bflag:$0x2] =	sbarrier.arrive $0xFFFF  }
0x1c0: {  	p0 =	sne.s32 s0, $0x0;
	s0 =	rddreg [dreg:$0x2]  }
0x1c1: {  	s0 =	sadd.s32 @!p0 $0x100000, s0  }
0x1c2: {  	[sflag:s0] =	ssyncadd.tile.s32 @!p0 $0x1;
	_ =	shalt  }
.Lfunc_end2:
_tile_overlayer_lowered:
.L_overlay_start_2:
0x1c3: {  	(tag) =	ssettag $0x2  }
0x1c4: {  	s0 =	rddreg [dreg:$0x0];
	s2 =	stileid.u32  }
0x1c5: {  	s1 =	rddreg [dreg:$0x1];
	p0 =	sne.s32 s2, $0x0  }
0x1c6: {  	s3 =	rddreg [dreg:$0x2];
	[bflag:$0x3] =	sbarrier.arrive $0xFFFF;
	s2 =	simm.s32 @!p0 $0x1C05  }
0x1c7: {  	[timem:s3], [sflag:s2] =	dma.local @!p0 [hbm:s0], s1  }
0x1c8: {  	s0 =	simm.s32 @!p0 $0x5  }
0x1c9: {  	_ =	swait.ge @!p0 [sflag:s0], s1  }
0x1ca: {  	s1 =	ssub.s32 @!p0 $0x0, s1;
	[sflag:s0] =	ssyncset.done @!p0 $0x0  }
0x1cb: {  	[sflag:s0] =	ssyncadd.s32 @!p0 s1  }
0x1cc: {  	[bflag:$0x3] =	sbarrier.arrive $0xFFFF  }
0x1cd: {  	_ =	shalt  }

</sc_bundles>
